<compile_context>
chip_gen: v7x
topology: tpu7x:2x2x1
jax: 0.10.2.dev20260603
libtpu: 0.0.44.dev20260713+nightly
codegen_flags: <defaults>
</compile_context>

<pallas_src>
import functools

import jax
import jax.numpy as jnp
from jax import lax
from jax.experimental import pallas as pl
from jax.experimental.pallas import tpu as pltpu
from jax.experimental.pallas import tpu_sc as plsc

_N_FIELDS = 26
_VOCAB = 100000
_DIM = 16
_BATCH = 16384

_NC, _NS, _L = 2, 16, 16
_NW = _NC * _NS
_NSTRIPE = _N_FIELDS * _DIM
_SPW = _NSTRIPE // _NW
_NH = 4
_HB = _BATCH // _NH

_mesh = plsc.VectorSubcoreMesh(
    core_axis_name="c", subcore_axis_name="s", num_cores=_NC, num_subcores=_NS
)


@functools.partial(
    pl.kernel,
    out_type=jax.ShapeDtypeStruct((_N_FIELDS, _DIM, _BATCH), jnp.float32),
    mesh=_mesh,
    compiler_params=pltpu.CompilerParams(
        needs_layout_passes=False, use_tc_tiling_on_sc=True
    ),
    scratch_types=[
        pltpu.VMEM((_VOCAB,), jnp.float32),
        pltpu.VMEM((_BATCH,), jnp.int32),
        pltpu.VMEM((2 * _HB,), jnp.float32),
        pltpu.SemaphoreType.DMA,
        pltpu.SemaphoreType.DMA,
    ],
)
def _gather_kernel(xt_hbm, tab_hbm, out_hbm, stripe_v, x_v, out_v, sem0, sem1):
    wid = lax.axis_index("s") * _NC + lax.axis_index("c")
    s0 = wid * _SPW
    sems = (sem0, sem1)

    def do_stripe(i, carry):
        s = s0 + i
        f = s // _DIM
        d = s % _DIM

        @pl.when(jnp.logical_or(i == 0, d == 0))
        def _load_x():
            pltpu.sync_copy(xt_hbm.at[f], x_v)

        pltpu.sync_copy(tab_hbm.at[f, d], stripe_v)

        def do_quarter(h):
            slot = h % 2
            base = h * _HB
            ob = out_v.at[pl.ds(slot * _HB, _HB)]

            def _drain_prev():
                pltpu.make_async_copy(
                    out_hbm.at[f, d, pl.ds(base, _HB)], ob, sems[slot]
                ).wait()

            if h >= 2:
                _drain_prev()
            else:
                pl.when(i > 0)(_drain_prev)

            def grp(g, c):
                for k in range(16):
                    off = g * (16 * _L) + k * _L
                    xv = x_v[pl.ds(base + off, _L)]
                    out_v[pl.ds(slot * _HB + off, _L)] = plsc.load_gather(
                        stripe_v, [xv]
                    )
                return c

            lax.fori_loop(0, _HB // (16 * _L), grp, 0)
            pltpu.async_copy(ob, out_hbm.at[f, d, pl.ds(base, _HB)], sems[slot])

        for h in range(_NH):
            do_quarter(h)
        return carry

    lax.fori_loop(0, _SPW, do_stripe, 0)

    last = s0 + _SPW - 1
    lf = last // _DIM
    ld = last % _DIM
    for h in range(2):
        pltpu.make_async_copy(
            out_hbm.at[lf, ld, pl.ds((2 + h) * _HB, _HB)],
            out_v.at[pl.ds(h * _HB, _HB)],
            sems[h],
        ).wait()


def kernel(x, tables):
    tab_t = tables.transpose(0, 2, 1)
    out_t = _gather_kernel(x.T, tab_t)
    return out_t.transpose(0, 2, 1)

# --- scband reference (transcript-rebuilt; emitter-appended) ---
"""Pipeline reference for scband-categorical-feature-graph-11768210391279 (READ-ONLY COPY).

The authoritative reference and input builder live on the scoring server;
editing this copy changes nothing except your own understanding.
"""

import jax, jax.numpy as jnp
import numpy as np

N_FIELDS = 26
VOCAB = 100000
DIM = 16
BATCH = 16384


def setup_inputs(seed: int = 0) -> dict:
    key = jax.random.key(seed)
    k1, k2 = jax.random.split(key)
    # categorical index tensor: one column per sparse field
    x = jax.random.randint(k1, (BATCH, N_FIELDS), 0, VOCAB, dtype=jnp.int32)
    # all 26 embedding tables have identical shape (VOCAB, DIM), so stack them
    tables = jax.random.normal(k2, (N_FIELDS, VOCAB, DIM), dtype=jnp.float32) * 0.02
    return {"x": x, "tables": tables}


def reference(x, tables):
    # Faithful translation of:
    #   {name: self.embeddings[name](x[..., idx]) for idx, name in enumerate(cat_features)}
    # i.e., per-field embedding lookup: out[i] = tables[i][x[:, i]]
    # Returned as a stacked array [N_FIELDS, BATCH, DIM] (the dict values in field order).
    gathered = jax.vmap(lambda t, idx: jnp.take(t, idx, axis=0), in_axes=(0, 1))(tables, x)
    return gathered

if __name__ == "__main__":
    import jax
    _d = setup_inputs()
    print(jax.jit(kernel)(*tuple(_d.values())))

</pallas_src>

<mosaic_0001>
#map = affine_map<(d0, d1) -> (0, 0)>
#map1 = affine_map<(d0, d1) -> (0, 0, 0)>
module attributes {stable_mosaic.version = 14 : i64} {
  func.func @_gather_kernel(%arg0: i32, %arg1: i32, %arg2: memref<26x16384xi32, #tpu.memory_space<hbm>>, %arg3: memref<26x16x100000xf32, #tpu.memory_space<hbm>>, %arg4: memref<26x16x16384xf32, #tpu.memory_space<hbm>>, %arg5: memref<100000xf32, #tpu.memory_space<vmem>>, %arg6: memref<16384xi32, #tpu.memory_space<vmem>>, %arg7: memref<8192xf32, #tpu.memory_space<vmem>>, %arg8: memref<!tpu.dma_semaphore, #tpu.memory_space<semaphore_mem>>, %arg9: memref<!tpu.dma_semaphore, #tpu.memory_space<semaphore_mem>>) attributes {dimension_semantics = [#tpu.dimension_semantics<core_parallel>, #tpu.dimension_semantics<subcore_parallel>], iteration_bounds = array<i64: 2, 16>, scalar_prefetch = 0 : i64, scratch_operands = 5 : i64, tpu.core_type = #tpu.core_type<sc_vector_subcore>, window_params = [{transform_indices = #map}, {transform_indices = #map1}, {transform_indices = #map1}]} {
    %mul3A = arith.constant 2 : i32
    %mul3A_0 = arith.muli %arg1, %mul3A : i32
    %add3A = arith.addi %mul3A_0, %arg0 : i32
    %mul3A_1 = arith.constant 13 : i32
    %mul3A_2 = arith.muli %add3A, %mul3A_1 : i32
    %scan3A = arith.constant 0 : i32
    %scan3A_3 = arith.constant 0 : i32
    %scan3A_4 = arith.constant 13 : i32
    %scan3A_5 = arith.addi %scan3A_3, %scan3A_4 : i32
    %scan3A_6 = arith.constant 1 : i32
    scf.for %scan3A_61 = %scan3A_3 to %scan3A_5 step %scan3A_6  : i32 {
      %add3A_62 = arith.addi %mul3A_2, %scan3A_61 : i32
      %jit3A_63 = arith.constant 16 : i32
      %div3A_64 = arith.divsi %add3A_62, %jit3A_63 : i32
      %sign3A_65 = arith.constant 0 : i32
      %sign3A_66 = arith.cmpi sgt, %add3A_62, %sign3A_65 : i32
      %sign3A_67 = arith.extui %sign3A_66 : i1 to i32
      %sign3A_68 = arith.constant 0 : i32
      %sign3A_69 = arith.cmpi slt, %add3A_62, %sign3A_68 : i32
      %sign3A_70 = arith.extui %sign3A_69 : i1 to i32
      %sign3A_71 = arith.subi %sign3A_67, %sign3A_70 : i32
      %sign3A_72 = arith.constant 0 : i32
      %sign3A_73 = arith.cmpi sgt, %jit3A_63, %sign3A_72 : i32
      %sign3A_74 = arith.extui %sign3A_73 : i1 to i32
      %sign3A_75 = arith.constant 0 : i32
      %sign3A_76 = arith.cmpi slt, %jit3A_63, %sign3A_75 : i32
      %sign3A_77 = arith.extui %sign3A_76 : i1 to i32
      %sign3A_78 = arith.subi %sign3A_74, %sign3A_77 : i32
      %ne3A_79 = arith.cmpi ne, %sign3A_71, %sign3A_78 : i32
      %rem3A_80 = arith.remsi %add3A_62, %jit3A_63 : i32
      %ne3A_81 = arith.constant 0 : i32
      %ne3A_82 = arith.cmpi ne, %rem3A_80, %ne3A_81 : i32
      %and3A_83 = arith.andi %ne3A_79, %ne3A_82 : i1
      %sub3A_84 = arith.constant 1 : i32
      %sub3A_85 = arith.subi %div3A_64, %sub3A_84 : i32
      %select_n3A_86 = arith.select %and3A_83, %sub3A_85, %div3A_64 : i32
      %jit3A_87 = arith.constant 16 : i32
      %eq3A_88 = arith.constant 0 : i32
      %eq3A_89 = arith.cmpi eq, %jit3A_87, %eq3A_88 : i32
      %jit3A_90 = arith.constant 1 : i32
      %select_n3A_91 = arith.select %eq3A_89, %jit3A_90, %jit3A_87 : i32
      %rem3A_92 = arith.remsi %add3A_62, %select_n3A_91 : i32
      %ne3A_93 = arith.constant 0 : i32
      %ne3A_94 = arith.cmpi ne, %rem3A_92, %ne3A_93 : i32
      %lt3A_95 = arith.constant 0 : i32
      %lt3A_96 = arith.cmpi slt, %rem3A_92, %lt3A_95 : i32
      %lt3A_97 = arith.constant 0 : i32
      %lt3A_98 = arith.cmpi slt, %select_n3A_91, %lt3A_97 : i32
      %ne3A_99 = arith.xori %lt3A_96, %lt3A_98 : i1
      %and3A_100 = arith.andi %ne3A_99, %ne3A_94 : i1
      %add3A_101 = arith.addi %rem3A_92, %select_n3A_91 : i32
      %select_n3A_102 = arith.select %and3A_100, %add3A_101, %rem3A_92 : i32
      %eq3A_103 = arith.constant 0 : i32
      %eq3A_104 = arith.cmpi eq, %scan3A_61, %eq3A_103 : i32
      %eq3A_105 = arith.constant 0 : i32
      %eq3A_106 = arith.cmpi eq, %select_n3A_102, %eq3A_105 : i32
      %or3A = arith.ori %eq3A_104, %eq3A_106 : i1
      %convert_element_type3A = arith.extui %or3A : i1 to i32
      %cond3A = arith.constant 0 : i32
      %cond3A_107 = arith.cmpi ne, %convert_element_type3A, %cond3A : i32
      scf.if %cond3A_107 {
        "tpu.region"() ({
          %run_scoped3A = tpu.sem_alloc : memref<!tpu.dma_semaphore, #tpu.memory_space<semaphore_mem>>
          %dma_start3A_200 = arith.constant 0 : i32
          %dma_start3A_201 = tpu.memref_slice %arg2[%select_n3A_86, %dma_start3A_200] : memref<26x16384xi32, #tpu.memory_space<hbm>> -> memref<1x16384xi32, #tpu.memory_space<hbm>>
          %dma_start3A_202 = tpu.memref_squeeze %dma_start3A_201 : memref<1x16384xi32, #tpu.memory_space<hbm>> -> memref<16384xi32, #tpu.memory_space<hbm>>
          %dma_start3A_203 = arith.constant 0 : i32
          %dma_start3A_204 = tpu.memref_slice %arg2[%select_n3A_86, %dma_start3A_203] : memref<26x16384xi32, #tpu.memory_space<hbm>> -> memref<1x16384xi32, #tpu.memory_space<hbm>>
          %dma_start3A_205 = tpu.memref_squeeze %dma_start3A_204 : memref<1x16384xi32, #tpu.memory_space<hbm>> -> memref<16384xi32, #tpu.memory_space<hbm>>
          tpu.enqueue_dma source(%dma_start3A_205 : memref<16384xi32, #tpu.memory_space<hbm>>) target(%arg6 : memref<16384xi32, #tpu.memory_space<vmem>>) target_semaphore(%run_scoped3A : memref<!tpu.dma_semaphore, #tpu.memory_space<semaphore_mem>>)
          %dma_wait3A_206 = arith.constant 0 : i32
          %dma_wait3A_207 = tpu.memref_slice %arg2[%select_n3A_86, %dma_wait3A_206] : memref<26x16384xi32, #tpu.memory_space<hbm>> -> memref<1x16384xi32, #tpu.memory_space<hbm>>
          %dma_wait3A_208 = tpu.memref_squeeze %dma_wait3A_207 : memref<1x16384xi32, #tpu.memory_space<hbm>> -> memref<16384xi32, #tpu.memory_space<hbm>>
          %dma_wait3A_209 = arith.constant 0 : i32
          %dma_wait3A_210 = tpu.memref_slice %arg2[%select_n3A_86, %dma_wait3A_209] : memref<26x16384xi32, #tpu.memory_space<hbm>> -> memref<1x16384xi32, #tpu.memory_space<hbm>>
          %dma_wait3A_211 = tpu.memref_squeeze %dma_wait3A_210 : memref<1x16384xi32, #tpu.memory_space<hbm>> -> memref<16384xi32, #tpu.memory_space<hbm>>
          tpu.wait_dma2 semaphore(%run_scoped3A : memref<!tpu.dma_semaphore, #tpu.memory_space<semaphore_mem>>) src(%dma_wait3A_211 : memref<16384xi32, #tpu.memory_space<hbm>>) dst(%arg6 : memref<16384xi32, #tpu.memory_space<vmem>>)
          tpu.yield
        }) : () -> ()
      } else {
      }
      "tpu.region"() ({
        %run_scoped3A = tpu.sem_alloc : memref<!tpu.dma_semaphore, #tpu.memory_space<semaphore_mem>>
        %dma_start3A_200 = arith.constant 0 : i32
        %dma_start3A_201 = tpu.memref_slice %arg3[%select_n3A_86, %select_n3A_102, %dma_start3A_200] : memref<26x16x100000xf32, #tpu.memory_space<hbm>> -> memref<1x1x100000xf32, #tpu.memory_space<hbm>>
        %dma_start3A_202 = tpu.memref_squeeze %dma_start3A_201 : memref<1x1x100000xf32, #tpu.memory_space<hbm>> -> memref<100000xf32, #tpu.memory_space<hbm>>
        %dma_start3A_203 = arith.constant 0 : i32
        %dma_start3A_204 = tpu.memref_slice %arg3[%select_n3A_86, %select_n3A_102, %dma_start3A_203] : memref<26x16x100000xf32, #tpu.memory_space<hbm>> -> memref<1x1x100000xf32, #tpu.memory_space<hbm>>
        %dma_start3A_205 = tpu.memref_squeeze %dma_start3A_204 : memref<1x1x100000xf32, #tpu.memory_space<hbm>> -> memref<100000xf32, #tpu.memory_space<hbm>>
        tpu.enqueue_dma source(%dma_start3A_205 : memref<100000xf32, #tpu.memory_space<hbm>>) target(%arg5 : memref<100000xf32, #tpu.memory_space<vmem>>) target_semaphore(%run_scoped3A : memref<!tpu.dma_semaphore, #tpu.memory_space<semaphore_mem>>)
        %dma_wait3A_206 = arith.constant 0 : i32
        %dma_wait3A_207 = tpu.memref_slice %arg3[%select_n3A_86, %select_n3A_102, %dma_wait3A_206] : memref<26x16x100000xf32, #tpu.memory_space<hbm>> -> memref<1x1x100000xf32, #tpu.memory_space<hbm>>
        %dma_wait3A_208 = tpu.memref_squeeze %dma_wait3A_207 : memref<1x1x100000xf32, #tpu.memory_space<hbm>> -> memref<100000xf32, #tpu.memory_space<hbm>>
        %dma_wait3A_209 = arith.constant 0 : i32
        %dma_wait3A_210 = tpu.memref_slice %arg3[%select_n3A_86, %select_n3A_102, %dma_wait3A_209] : memref<26x16x100000xf32, #tpu.memory_space<hbm>> -> memref<1x1x100000xf32, #tpu.memory_space<hbm>>
        %dma_wait3A_211 = tpu.memref_squeeze %dma_wait3A_210 : memref<1x1x100000xf32, #tpu.memory_space<hbm>> -> memref<100000xf32, #tpu.memory_space<hbm>>
        tpu.wait_dma2 semaphore(%run_scoped3A : memref<!tpu.dma_semaphore, #tpu.memory_space<semaphore_mem>>) src(%dma_wait3A_211 : memref<100000xf32, #tpu.memory_space<hbm>>) dst(%arg5 : memref<100000xf32, #tpu.memory_space<vmem>>)
        tpu.yield
      }) : () -> ()
      %gt3A = arith.constant 0 : i32
      %gt3A_108 = arith.cmpi sgt, %scan3A_61, %gt3A : i32
      %convert_element_type3A_109 = arith.extui %gt3A_108 : i1 to i32
      %cond3A_110 = arith.constant 0 : i32
      %cond3A_111 = arith.cmpi ne, %convert_element_type3A_109, %cond3A_110 : i32
      scf.if %cond3A_111 {
        %dma_wait3A_200 = arith.constant 0 : i32
        %dma_wait3A_201 = tpu.memref_slice %arg7[%dma_wait3A_200] : memref<8192xf32, #tpu.memory_space<vmem>> -> memref<4096xf32, #tpu.memory_space<vmem>>
        %dma_wait3A_202 = arith.constant 0 : i32
        %dma_wait3A_203 = tpu.memref_slice %arg4[%select_n3A_86, %select_n3A_102, %dma_wait3A_202] : memref<26x16x16384xf32, #tpu.memory_space<hbm>> -> memref<1x1x4096xf32, #tpu.memory_space<hbm>>
        %dma_wait3A_204 = tpu.memref_squeeze %dma_wait3A_203 : memref<1x1x4096xf32, #tpu.memory_space<hbm>> -> memref<4096xf32, #tpu.memory_space<hbm>>
        %dma_wait3A_205 = arith.constant 0 : i32
        %dma_wait3A_206 = tpu.memref_slice %arg7[%dma_wait3A_205] : memref<8192xf32, #tpu.memory_space<vmem>> -> memref<4096xf32, #tpu.memory_space<vmem>>
        %dma_wait3A_207 = arith.constant 0 : i32
        %dma_wait3A_208 = tpu.memref_slice %arg4[%select_n3A_86, %select_n3A_102, %dma_wait3A_207] : memref<26x16x16384xf32, #tpu.memory_space<hbm>> -> memref<1x1x4096xf32, #tpu.memory_space<hbm>>
        %dma_wait3A_209 = tpu.memref_squeeze %dma_wait3A_208 : memref<1x1x4096xf32, #tpu.memory_space<hbm>> -> memref<4096xf32, #tpu.memory_space<hbm>>
        tpu.wait_dma2 semaphore(%arg8 : memref<!tpu.dma_semaphore, #tpu.memory_space<semaphore_mem>>) src(%dma_wait3A_209 : memref<4096xf32, #tpu.memory_space<hbm>>) dst(%dma_wait3A_206 : memref<4096xf32, #tpu.memory_space<vmem>>)
      } else {
      }
      %scan3A_112 = arith.constant 0 : i32
      %scan3A_113 = arith.constant 0 : i32
      %scan3A_114 = arith.constant 16 : i32
      %scan3A_115 = arith.addi %scan3A_113, %scan3A_114 : i32
      %scan3A_116 = arith.constant 1 : i32
      scf.for %scan3A_200 = %scan3A_113 to %scan3A_115 step %scan3A_116  : i32 {
        %mul3A_201 = arith.constant 256 : i32
        %mul3A_202 = arith.muli %scan3A_200, %mul3A_201 : i32
        %add3A_203 = arith.constant 0 : i32
        %add3A_204 = arith.addi %mul3A_202, %add3A_203 : i32
        %add3A_205 = arith.constant 0 : i32
        %add3A_206 = arith.addi %add3A_205, %add3A_204 : i32
        %get3A = arith.index_cast %add3A_206 : i32 to index
        %get3A_207 = tpu.vector_load %arg6[%get3A] {strides = array<i32>} : memref<16384xi32, #tpu.memory_space<vmem>>, vector<16xi32>,
        %gather3A = tpu.vector_load_idx %arg5[%get3A_207] : memref<100000xf32, #tpu.memory_space<vmem>>[vector<16xi32>], vector<16xf32>,
        %add3A_208 = arith.constant 0 : i32
        %add3A_209 = arith.addi %add3A_208, %add3A_204 : i32
        %swap3A = arith.index_cast %add3A_209 : i32 to index
        %swap3A_210 = tpu.vector_load %arg7[%swap3A] {strides = array<i32>} : memref<8192xf32, #tpu.memory_space<vmem>>, vector<16xf32>,
        tpu.vector_store %arg7[%swap3A], %gather3A {strides = array<i32>} : memref<8192xf32, #tpu.memory_space<vmem>>, vector<16xf32>,
        %mul3A_211 = arith.constant 256 : i32
        %mul3A_212 = arith.muli %scan3A_200, %mul3A_211 : i32
        %add3A_213 = arith.constant 16 : i32
        %add3A_214 = arith.addi %mul3A_212, %add3A_213 : i32
        %add3A_215 = arith.constant 0 : i32
        %add3A_216 = arith.addi %add3A_215, %add3A_214 : i32
        %get3A_217 = arith.index_cast %add3A_216 : i32 to index
        %get3A_218 = tpu.vector_load %arg6[%get3A_217] {strides = array<i32>} : memref<16384xi32, #tpu.memory_space<vmem>>, vector<16xi32>,
        %gather3A_219 = tpu.vector_load_idx %arg5[%get3A_218] : memref<100000xf32, #tpu.memory_space<vmem>>[vector<16xi32>], vector<16xf32>,
        %add3A_220 = arith.constant 0 : i32
        %add3A_221 = arith.addi %add3A_220, %add3A_214 : i32
        %swap3A_222 = arith.index_cast %add3A_221 : i32 to index
        %swap3A_223 = tpu.vector_load %arg7[%swap3A_222] {strides = array<i32>} : memref<8192xf32, #tpu.memory_space<vmem>>, vector<16xf32>,
        tpu.vector_store %arg7[%swap3A_222], %gather3A_219 {strides = array<i32>} : memref<8192xf32, #tpu.memory_space<vmem>>, vector<16xf32>,
        %mul3A_224 = arith.constant 256 : i32
        %mul3A_225 = arith.muli %scan3A_200, %mul3A_224 : i32
        %add3A_226 = arith.constant 32 : i32
        %add3A_227 = arith.addi %mul3A_225, %add3A_226 : i32
        %add3A_228 = arith.constant 0 : i32
        %add3A_229 = arith.addi %add3A_228, %add3A_227 : i32
        %get3A_230 = arith.index_cast %add3A_229 : i32 to index
        %get3A_231 = tpu.vector_load %arg6[%get3A_230] {strides = array<i32>} : memref<16384xi32, #tpu.memory_space<vmem>>, vector<16xi32>,
        %gather3A_232 = tpu.vector_load_idx %arg5[%get3A_231] : memref<100000xf32, #tpu.memory_space<vmem>>[vector<16xi32>], vector<16xf32>,
        %add3A_233 = arith.constant 0 : i32
        %add3A_234 = arith.addi %add3A_233, %add3A_227 : i32
        %swap3A_235 = arith.index_cast %add3A_234 : i32 to index
        %swap3A_236 = tpu.vector_load %arg7[%swap3A_235] {strides = array<i32>} : memref<8192xf32, #tpu.memory_space<vmem>>, vector<16xf32>,
        tpu.vector_store %arg7[%swap3A_235], %gather3A_232 {strides = array<i32>} : memref<8192xf32, #tpu.memory_space<vmem>>, vector<16xf32>,
        %mul3A_237 = arith.constant 256 : i32
        %mul3A_238 = arith.muli %scan3A_200, %mul3A_237 : i32
        %add3A_239 = arith.constant 48 : i32
        %add3A_240 = arith.addi %mul3A_238, %add3A_239 : i32
        %add3A_241 = arith.constant 0 : i32
        %add3A_242 = arith.addi %add3A_241, %add3A_240 : i32
        %get3A_243 = arith.index_cast %add3A_242 : i32 to index
        %get3A_244 = tpu.vector_load %arg6[%get3A_243] {strides = array<i32>} : memref<16384xi32, #tpu.memory_space<vmem>>, vector<16xi32>,
        %gather3A_245 = tpu.vector_load_idx %arg5[%get3A_244] : memref<100000xf32, #tpu.memory_space<vmem>>[vector<16xi32>], vector<16xf32>,
        %add3A_246 = arith.constant 0 : i32
        %add3A_247 = arith.addi %add3A_246, %add3A_240 : i32
        %swap3A_248 = arith.index_cast %add3A_247 : i32 to index
        %swap3A_249 = tpu.vector_load %arg7[%swap3A_248] {strides = array<i32>} : memref<8192xf32, #tpu.memory_space<vmem>>, vector<16xf32>,
        tpu.vector_store %arg7[%swap3A_248], %gather3A_245 {strides = array<i32>} : memref<8192xf32, #tpu.memory_space<vmem>>, vector<16xf32>,
        %mul3A_250 = arith.constant 256 : i32
        %mul3A_251 = arith.muli %scan3A_200, %mul3A_250 : i32
        %add3A_252 = arith.constant 64 : i32
        %add3A_253 = arith.addi %mul3A_251, %add3A_252 : i32
        %add3A_254 = arith.constant 0 : i32
        %add3A_255 = arith.addi %add3A_254, %add3A_253 : i32
        %get3A_256 = arith.index_cast %add3A_255 : i32 to index
        %get3A_257 = tpu.vector_load %arg6[%get3A_256] {strides = array<i32>} : memref<16384xi32, #tpu.memory_space<vmem>>, vector<16xi32>,
        %gather3A_258 = tpu.vector_load_idx %arg5[%get3A_257] : memref<100000xf32, #tpu.memory_space<vmem>>[vector<16xi32>], vector<16xf32>,
        %add3A_259 = arith.constant 0 : i32
        %add3A_260 = arith.addi %add3A_259, %add3A_253 : i32
        %swap3A_261 = arith.index_cast %add3A_260 : i32 to index
        %swap3A_262 = tpu.vector_load %arg7[%swap3A_261] {strides = array<i32>} : memref<8192xf32, #tpu.memory_space<vmem>>, vector<16xf32>,
        tpu.vector_store %arg7[%swap3A_261], %gather3A_258 {strides = array<i32>} : memref<8192xf32, #tpu.memory_space<vmem>>, vector<16xf32>,
        %mul3A_263 = arith.constant 256 : i32
        %mul3A_264 = arith.muli %scan3A_200, %mul3A_263 : i32
        %add3A_265 = arith.constant 80 : i32
        %add3A_266 = arith.addi %mul3A_264, %add3A_265 : i32
        %add3A_267 = arith.constant 0 : i32
        %add3A_268 = arith.addi %add3A_267, %add3A_266 : i32
        %get3A_269 = arith.index_cast %add3A_268 : i32 to index
        %get3A_270 = tpu.vector_load %arg6[%get3A_269] {strides = array<i32>} : memref<16384xi32, #tpu.memory_space<vmem>>, vector<16xi32>,
        %gather3A_271 = tpu.vector_load_idx %arg5[%get3A_270] : memref<100000xf32, #tpu.memory_space<vmem>>[vector<16xi32>], vector<16xf32>,
        %add3A_272 = arith.constant 0 : i32
        %add3A_273 = arith.addi %add3A_272, %add3A_266 : i32
        %swap3A_274 = arith.index_cast %add3A_273 : i32 to index
        %swap3A_275 = tpu.vector_load %arg7[%swap3A_274] {strides = array<i32>} : memref<8192xf32, #tpu.memory_space<vmem>>, vector<16xf32>,
        tpu.vector_store %arg7[%swap3A_274], %gather3A_271 {strides = array<i32>} : memref<8192xf32, #tpu.memory_space<vmem>>, vector<16xf32>,
        %mul3A_276 = arith.constant 256 : i32
        %mul3A_277 = arith.muli %scan3A_200, %mul3A_276 : i32
        %add3A_278 = arith.constant 96 : i32
        %add3A_279 = arith.addi %mul3A_277, %add3A_278 : i32
        %add3A_280 = arith.constant 0 : i32
        %add3A_281 = arith.addi %add3A_280, %add3A_279 : i32
        %get3A_282 = arith.index_cast %add3A_281 : i32 to index
        %get3A_283 = tpu.vector_load %arg6[%get3A_282] {strides = array<i32>} : memref<16384xi32, #tpu.memory_space<vmem>>, vector<16xi32>,
        %gather3A_284 = tpu.vector_load_idx %arg5[%get3A_283] : memref<100000xf32, #tpu.memory_space<vmem>>[vector<16xi32>], vector<16xf32>,
        %add3A_285 = arith.constant 0 : i32
        %add3A_286 = arith.addi %add3A_285, %add3A_279 : i32
        %swap3A_287 = arith.index_cast %add3A_286 : i32 to index
        %swap3A_288 = tpu.vector_load %arg7[%swap3A_287] {strides = array<i32>} : memref<8192xf32, #tpu.memory_space<vmem>>, vector<16xf32>,
        tpu.vector_store %arg7[%swap3A_287], %gather3A_284 {strides = array<i32>} : memref<8192xf32, #tpu.memory_space<vmem>>, vector<16xf32>,
        %mul3A_289 = arith.constant 256 : i32
        %mul3A_290 = arith.muli %scan3A_200, %mul3A_289 : i32
        %add3A_291 = arith.constant 112 : i32
        %add3A_292 = arith.addi %mul3A_290, %add3A_291 : i32
        %add3A_293 = arith.constant 0 : i32
        %add3A_294 = arith.addi %add3A_293, %add3A_292 : i32
        %get3A_295 = arith.index_cast %add3A_294 : i32 to index
        %get3A_296 = tpu.vector_load %arg6[%get3A_295] {strides = array<i32>} : memref<16384xi32, #tpu.memory_space<vmem>>, vector<16xi32>,
        %gather3A_297 = tpu.vector_load_idx %arg5[%get3A_296] : memref<100000xf32, #tpu.memory_space<vmem>>[vector<16xi32>], vector<16xf32>,
        %add3A_298 = arith.constant 0 : i32
        %add3A_299 = arith.addi %add3A_298, %add3A_292 : i32
        %swap3A_300 = arith.index_cast %add3A_299 : i32 to index
        %swap3A_301 = tpu.vector_load %arg7[%swap3A_300] {strides = array<i32>} : memref<8192xf32, #tpu.memory_space<vmem>>, vector<16xf32>,
        tpu.vector_store %arg7[%swap3A_300], %gather3A_297 {strides = array<i32>} : memref<8192xf32, #tpu.memory_space<vmem>>, vector<16xf32>,
        %mul3A_302 = arith.constant 256 : i32
        %mul3A_303 = arith.muli %scan3A_200, %mul3A_302 : i32
        %add3A_304 = arith.constant 128 : i32
        %add3A_305 = arith.addi %mul3A_303, %add3A_304 : i32
        %add3A_306 = arith.constant 0 : i32
        %add3A_307 = arith.addi %add3A_306, %add3A_305 : i32
        %get3A_308 = arith.index_cast %add3A_307 : i32 to index
        %get3A_309 = tpu.vector_load %arg6[%get3A_308] {strides = array<i32>} : memref<16384xi32, #tpu.memory_space<vmem>>, vector<16xi32>,
        %gather3A_310 = tpu.vector_load_idx %arg5[%get3A_309] : memref<100000xf32, #tpu.memory_space<vmem>>[vector<16xi32>], vector<16xf32>,
        %add3A_311 = arith.constant 0 : i32
        %add3A_312 = arith.addi %add3A_311, %add3A_305 : i32
        %swap3A_313 = arith.index_cast %add3A_312 : i32 to index
        %swap3A_314 = tpu.vector_load %arg7[%swap3A_313] {strides = array<i32>} : memref<8192xf32, #tpu.memory_space<vmem>>, vector<16xf32>,
        tpu.vector_store %arg7[%swap3A_313], %gather3A_310 {strides = array<i32>} : memref<8192xf32, #tpu.memory_space<vmem>>, vector<16xf32>,
        %mul3A_315 = arith.constant 256 : i32
        %mul3A_316 = arith.muli %scan3A_200, %mul3A_315 : i32
        %add3A_317 = arith.constant 144 : i32
        %add3A_318 = arith.addi %mul3A_316, %add3A_317 : i32
        %add3A_319 = arith.constant 0 : i32
        %add3A_320 = arith.addi %add3A_319, %add3A_318 : i32
        %get3A_321 = arith.index_cast %add3A_320 : i32 to index
        %get3A_322 = tpu.vector_load %arg6[%get3A_321] {strides = array<i32>} : memref<16384xi32, #tpu.memory_space<vmem>>, vector<16xi32>,
        %gather3A_323 = tpu.vector_load_idx %arg5[%get3A_322] : memref<100000xf32, #tpu.memory_space<vmem>>[vector<16xi32>], vector<16xf32>,
        %add3A_324 = arith.constant 0 : i32
        %add3A_325 = arith.addi %add3A_324, %add3A_318 : i32
        %swap3A_326 = arith.index_cast %add3A_325 : i32 to index
        %swap3A_327 = tpu.vector_load %arg7[%swap3A_326] {strides = array<i32>} : memref<8192xf32, #tpu.memory_space<vmem>>, vector<16xf32>,
        tpu.vector_store %arg7[%swap3A_326], %gather3A_323 {strides = array<i32>} : memref<8192xf32, #tpu.memory_space<vmem>>, vector<16xf32>,
        %mul3A_328 = arith.constant 256 : i32
        %mul3A_329 = arith.muli %scan3A_200, %mul3A_328 : i32
        %add3A_330 = arith.constant 160 : i32
        %add3A_331 = arith.addi %mul3A_329, %add3A_330 : i32
        %add3A_332 = arith.constant 0 : i32
        %add3A_333 = arith.addi %add3A_332, %add3A_331 : i32
        %get3A_334 = arith.index_cast %add3A_333 : i32 to index
        %get3A_335 = tpu.vector_load %arg6[%get3A_334] {strides = array<i32>} : memref<16384xi32, #tpu.memory_space<vmem>>, vector<16xi32>,
        %gather3A_336 = tpu.vector_load_idx %arg5[%get3A_335] : memref<100000xf32, #tpu.memory_space<vmem>>[vector<16xi32>], vector<16xf32>,
        %add3A_337 = arith.constant 0 : i32
        %add3A_338 = arith.addi %add3A_337, %add3A_331 : i32
        %swap3A_339 = arith.index_cast %add3A_338 : i32 to index
        %swap3A_340 = tpu.vector_load %arg7[%swap3A_339] {strides = array<i32>} : memref<8192xf32, #tpu.memory_space<vmem>>, vector<16xf32>,
        tpu.vector_store %arg7[%swap3A_339], %gather3A_336 {strides = array<i32>} : memref<8192xf32, #tpu.memory_space<vmem>>, vector<16xf32>,
        %mul3A_341 = arith.constant 256 : i32
        %mul3A_342 = arith.muli %scan3A_200, %mul3A_341 : i32
        %add3A_343 = arith.constant 176 : i32
        %add3A_344 = arith.addi %mul3A_342, %add3A_343 : i32
        %add3A_345 = arith.constant 0 : i32
        %add3A_346 = arith.addi %add3A_345, %add3A_344 : i32
        %get3A_347 = arith.index_cast %add3A_346 : i32 to index
        %get3A_348 = tpu.vector_load %arg6[%get3A_347] {strides = array<i32>} : memref<16384xi32, #tpu.memory_space<vmem>>, vector<16xi32>,
        %gather3A_349 = tpu.vector_load_idx %arg5[%get3A_348] : memref<100000xf32, #tpu.memory_space<vmem>>[vector<16xi32>], vector<16xf32>,
        %add3A_350 = arith.constant 0 : i32
        %add3A_351 = arith.addi %add3A_350, %add3A_344 : i32
        %swap3A_352 = arith.index_cast %add3A_351 : i32 to index
        %swap3A_353 = tpu.vector_load %arg7[%swap3A_352] {strides = array<i32>} : memref<8192xf32, #tpu.memory_space<vmem>>, vector<16xf32>,
        tpu.vector_store %arg7[%swap3A_352], %gather3A_349 {strides = array<i32>} : memref<8192xf32, #tpu.memory_space<vmem>>, vector<16xf32>,
        %mul3A_354 = arith.constant 256 : i32
        %mul3A_355 = arith.muli %scan3A_200, %mul3A_354 : i32
        %add3A_356 = arith.constant 192 : i32
        %add3A_357 = arith.addi %mul3A_355, %add3A_356 : i32
        %add3A_358 = arith.constant 0 : i32
        %add3A_359 = arith.addi %add3A_358, %add3A_357 : i32
        %get3A_360 = arith.index_cast %add3A_359 : i32 to index
        %get3A_361 = tpu.vector_load %arg6[%get3A_360] {strides = array<i32>} : memref<16384xi32, #tpu.memory_space<vmem>>, vector<16xi32>,
        %gather3A_362 = tpu.vector_load_idx %arg5[%get3A_361] : memref<100000xf32, #tpu.memory_space<vmem>>[vector<16xi32>], vector<16xf32>,
        %add3A_363 = arith.constant 0 : i32
        %add3A_364 = arith.addi %add3A_363, %add3A_357 : i32
        %swap3A_365 = arith.index_cast %add3A_364 : i32 to index
        %swap3A_366 = tpu.vector_load %arg7[%swap3A_365] {strides = array<i32>} : memref<8192xf32, #tpu.memory_space<vmem>>, vector<16xf32>,
        tpu.vector_store %arg7[%swap3A_365], %gather3A_362 {strides = array<i32>} : memref<8192xf32, #tpu.memory_space<vmem>>, vector<16xf32>,
        %mul3A_367 = arith.constant 256 : i32
        %mul3A_368 = arith.muli %scan3A_200, %mul3A_367 : i32
        %add3A_369 = arith.constant 208 : i32
        %add3A_370 = arith.addi %mul3A_368, %add3A_369 : i32
        %add3A_371 = arith.constant 0 : i32
        %add3A_372 = arith.addi %add3A_371, %add3A_370 : i32
        %get3A_373 = arith.index_cast %add3A_372 : i32 to index
        %get3A_374 = tpu.vector_load %arg6[%get3A_373] {strides = array<i32>} : memref<16384xi32, #tpu.memory_space<vmem>>, vector<16xi32>,
        %gather3A_375 = tpu.vector_load_idx %arg5[%get3A_374] : memref<100000xf32, #tpu.memory_space<vmem>>[vector<16xi32>], vector<16xf32>,
        %add3A_376 = arith.constant 0 : i32
        %add3A_377 = arith.addi %add3A_376, %add3A_370 : i32
        %swap3A_378 = arith.index_cast %add3A_377 : i32 to index
        %swap3A_379 = tpu.vector_load %arg7[%swap3A_378] {strides = array<i32>} : memref<8192xf32, #tpu.memory_space<vmem>>, vector<16xf32>,
        tpu.vector_store %arg7[%swap3A_378], %gather3A_375 {strides = array<i32>} : memref<8192xf32, #tpu.memory_space<vmem>>, vector<16xf32>,
        %mul3A_380 = arith.constant 256 : i32
        %mul3A_381 = arith.muli %scan3A_200, %mul3A_380 : i32
        %add3A_382 = arith.constant 224 : i32
        %add3A_383 = arith.addi %mul3A_381, %add3A_382 : i32
        %add3A_384 = arith.constant 0 : i32
        %add3A_385 = arith.addi %add3A_384, %add3A_383 : i32
        %get3A_386 = arith.index_cast %add3A_385 : i32 to index
        %get3A_387 = tpu.vector_load %arg6[%get3A_386] {strides = array<i32>} : memref<16384xi32, #tpu.memory_space<vmem>>, vector<16xi32>,
        %gather3A_388 = tpu.vector_load_idx %arg5[%get3A_387] : memref<100000xf32, #tpu.memory_space<vmem>>[vector<16xi32>], vector<16xf32>,
        %add3A_389 = arith.constant 0 : i32
        %add3A_390 = arith.addi %add3A_389, %add3A_383 : i32
        %swap3A_391 = arith.index_cast %add3A_390 : i32 to index
        %swap3A_392 = tpu.vector_load %arg7[%swap3A_391] {strides = array<i32>} : memref<8192xf32, #tpu.memory_space<vmem>>, vector<16xf32>,
        tpu.vector_store %arg7[%swap3A_391], %gather3A_388 {strides = array<i32>} : memref<8192xf32, #tpu.memory_space<vmem>>, vector<16xf32>,
        %mul3A_393 = arith.constant 256 : i32
        %mul3A_394 = arith.muli %scan3A_200, %mul3A_393 : i32
        %add3A_395 = arith.constant 240 : i32
        %add3A_396 = arith.addi %mul3A_394, %add3A_395 : i32
        %add3A_397 = arith.constant 0 : i32
        %add3A_398 = arith.addi %add3A_397, %add3A_396 : i32
        %get3A_399 = arith.index_cast %add3A_398 : i32 to index
        %get3A_400 = tpu.vector_load %arg6[%get3A_399] {strides = array<i32>} : memref<16384xi32, #tpu.memory_space<vmem>>, vector<16xi32>,
        %gather3A_401 = tpu.vector_load_idx %arg5[%get3A_400] : memref<100000xf32, #tpu.memory_space<vmem>>[vector<16xi32>], vector<16xf32>,
        %add3A_402 = arith.constant 0 : i32
        %add3A_403 = arith.addi %add3A_402, %add3A_396 : i32
        %swap3A_404 = arith.index_cast %add3A_403 : i32 to index
        %swap3A_405 = tpu.vector_load %arg7[%swap3A_404] {strides = array<i32>} : memref<8192xf32, #tpu.memory_space<vmem>>, vector<16xf32>,
        tpu.vector_store %arg7[%swap3A_404], %gather3A_401 {strides = array<i32>} : memref<8192xf32, #tpu.memory_space<vmem>>, vector<16xf32>,
      }
      %scan3A_117 = arith.constant 16 : i32
      %dma_start3A = arith.constant 0 : i32
      %dma_start3A_118 = tpu.memref_slice %arg7[%dma_start3A] : memref<8192xf32, #tpu.memory_space<vmem>> -> memref<4096xf32, #tpu.memory_space<vmem>>
      %dma_start3A_119 = arith.constant 0 : i32
      %dma_start3A_120 = tpu.memref_slice %arg4[%select_n3A_86, %select_n3A_102, %dma_start3A_119] : memref<26x16x16384xf32, #tpu.memory_space<hbm>> -> memref<1x1x4096xf32, #tpu.memory_space<hbm>>
      %dma_start3A_121 = tpu.memref_squeeze %dma_start3A_120 : memref<1x1x4096xf32, #tpu.memory_space<hbm>> -> memref<4096xf32, #tpu.memory_space<hbm>>
      %dma_start3A_122 = arith.constant 0 : i32
      %dma_start3A_123 = tpu.memref_slice %arg4[%select_n3A_86, %select_n3A_102, %dma_start3A_122] : memref<26x16x16384xf32, #tpu.memory_space<hbm>> -> memref<1x1x4096xf32, #tpu.memory_space<hbm>>
      %dma_start3A_124 = tpu.memref_squeeze %dma_start3A_123 : memref<1x1x4096xf32, #tpu.memory_space<hbm>> -> memref<4096xf32, #tpu.memory_space<hbm>>
      %dma_start3A_125 = arith.constant 0 : i32
      %dma_start3A_126 = tpu.memref_slice %arg7[%dma_start3A_125] : memref<8192xf32, #tpu.memory_space<vmem>> -> memref<4096xf32, #tpu.memory_space<vmem>>
      tpu.enqueue_dma source(%dma_start3A_126 : memref<4096xf32, #tpu.memory_space<vmem>>) target(%dma_start3A_124 : memref<4096xf32, #tpu.memory_space<hbm>>) target_semaphore(%arg8 : memref<!tpu.dma_semaphore, #tpu.memory_space<semaphore_mem>>)
      %gt3A_127 = arith.constant 0 : i32
      %gt3A_128 = arith.cmpi sgt, %scan3A_61, %gt3A_127 : i32
      %convert_element_type3A_129 = arith.extui %gt3A_128 : i1 to i32
      %cond3A_130 = arith.constant 0 : i32
      %cond3A_131 = arith.cmpi ne, %convert_element_type3A_129, %cond3A_130 : i32
      scf.if %cond3A_131 {
        %dma_wait3A_200 = arith.constant 4096 : i32
        %dma_wait3A_201 = tpu.memref_slice %arg7[%dma_wait3A_200] : memref<8192xf32, #tpu.memory_space<vmem>> -> memref<4096xf32, #tpu.memory_space<vmem>>
        %dma_wait3A_202 = arith.constant 4096 : i32
        %dma_wait3A_203 = tpu.memref_slice %arg4[%select_n3A_86, %select_n3A_102, %dma_wait3A_202] : memref<26x16x16384xf32, #tpu.memory_space<hbm>> -> memref<1x1x4096xf32, #tpu.memory_space<hbm>>
        %dma_wait3A_204 = tpu.memref_squeeze %dma_wait3A_203 : memref<1x1x4096xf32, #tpu.memory_space<hbm>> -> memref<4096xf32, #tpu.memory_space<hbm>>
        %dma_wait3A_205 = arith.constant 4096 : i32
        %dma_wait3A_206 = tpu.memref_slice %arg7[%dma_wait3A_205] : memref<8192xf32, #tpu.memory_space<vmem>> -> memref<4096xf32, #tpu.memory_space<vmem>>
        %dma_wait3A_207 = arith.constant 4096 : i32
        %dma_wait3A_208 = tpu.memref_slice %arg4[%select_n3A_86, %select_n3A_102, %dma_wait3A_207] : memref<26x16x16384xf32, #tpu.memory_space<hbm>> -> memref<1x1x4096xf32, #tpu.memory_space<hbm>>
        %dma_wait3A_209 = tpu.memref_squeeze %dma_wait3A_208 : memref<1x1x4096xf32, #tpu.memory_space<hbm>> -> memref<4096xf32, #tpu.memory_space<hbm>>
        tpu.wait_dma2 semaphore(%arg9 : memref<!tpu.dma_semaphore, #tpu.memory_space<semaphore_mem>>) src(%dma_wait3A_209 : memref<4096xf32, #tpu.memory_space<hbm>>) dst(%dma_wait3A_206 : memref<4096xf32, #tpu.memory_space<vmem>>)
      } else {
      }
      %scan3A_132 = arith.constant 0 : i32
      %scan3A_133 = arith.constant 0 : i32
      %scan3A_134 = arith.constant 16 : i32
      %scan3A_135 = arith.addi %scan3A_133, %scan3A_134 : i32
      %scan3A_136 = arith.constant 1 : i32
      scf.for %scan3A_200 = %scan3A_133 to %scan3A_135 step %scan3A_136  : i32 {
        %mul3A_201 = arith.constant 256 : i32
        %mul3A_202 = arith.muli %scan3A_200, %mul3A_201 : i32
        %add3A_203 = arith.constant 0 : i32
        %add3A_204 = arith.addi %mul3A_202, %add3A_203 : i32
        %add3A_205 = arith.constant 4096 : i32
        %add3A_206 = arith.addi %add3A_205, %add3A_204 : i32
        %get3A = arith.index_cast %add3A_206 : i32 to index
        %get3A_207 = tpu.vector_load %arg6[%get3A] {strides = array<i32>} : memref<16384xi32, #tpu.memory_space<vmem>>, vector<16xi32>,
        %gather3A = tpu.vector_load_idx %arg5[%get3A_207] : memref<100000xf32, #tpu.memory_space<vmem>>[vector<16xi32>], vector<16xf32>,
        %add3A_208 = arith.constant 4096 : i32
        %add3A_209 = arith.addi %add3A_208, %add3A_204 : i32
        %swap3A = arith.index_cast %add3A_209 : i32 to index
        %swap3A_210 = tpu.vector_load %arg7[%swap3A] {strides = array<i32>} : memref<8192xf32, #tpu.memory_space<vmem>>, vector<16xf32>,
        tpu.vector_store %arg7[%swap3A], %gather3A {strides = array<i32>} : memref<8192xf32, #tpu.memory_space<vmem>>, vector<16xf32>,
        %mul3A_211 = arith.constant 256 : i32
        %mul3A_212 = arith.muli %scan3A_200, %mul3A_211 : i32
        %add3A_213 = arith.constant 16 : i32
        %add3A_214 = arith.addi %mul3A_212, %add3A_213 : i32
        %add3A_215 = arith.constant 4096 : i32
        %add3A_216 = arith.addi %add3A_215, %add3A_214 : i32
        %get3A_217 = arith.index_cast %add3A_216 : i32 to index
        %get3A_218 = tpu.vector_load %arg6[%get3A_217] {strides = array<i32>} : memref<16384xi32, #tpu.memory_space<vmem>>, vector<16xi32>,
        %gather3A_219 = tpu.vector_load_idx %arg5[%get3A_218] : memref<100000xf32, #tpu.memory_space<vmem>>[vector<16xi32>], vector<16xf32>,
        %add3A_220 = arith.constant 4096 : i32
        %add3A_221 = arith.addi %add3A_220, %add3A_214 : i32
        %swap3A_222 = arith.index_cast %add3A_221 : i32 to index
        %swap3A_223 = tpu.vector_load %arg7[%swap3A_222] {strides = array<i32>} : memref<8192xf32, #tpu.memory_space<vmem>>, vector<16xf32>,
        tpu.vector_store %arg7[%swap3A_222], %gather3A_219 {strides = array<i32>} : memref<8192xf32, #tpu.memory_space<vmem>>, vector<16xf32>,
        %mul3A_224 = arith.constant 256 : i32
        %mul3A_225 = arith.muli %scan3A_200, %mul3A_224 : i32
        %add3A_226 = arith.constant 32 : i32
        %add3A_227 = arith.addi %mul3A_225, %add3A_226 : i32
        %add3A_228 = arith.constant 4096 : i32
        %add3A_229 = arith.addi %add3A_228, %add3A_227 : i32
        %get3A_230 = arith.index_cast %add3A_229 : i32 to index
        %get3A_231 = tpu.vector_load %arg6[%get3A_230] {strides = array<i32>} : memref<16384xi32, #tpu.memory_space<vmem>>, vector<16xi32>,
        %gather3A_232 = tpu.vector_load_idx %arg5[%get3A_231] : memref<100000xf32, #tpu.memory_space<vmem>>[vector<16xi32>], vector<16xf32>,
        %add3A_233 = arith.constant 4096 : i32
        %add3A_234 = arith.addi %add3A_233, %add3A_227 : i32
        %swap3A_235 = arith.index_cast %add3A_234 : i32 to index
        %swap3A_236 = tpu.vector_load %arg7[%swap3A_235] {strides = array<i32>} : memref<8192xf32, #tpu.memory_space<vmem>>, vector<16xf32>,
        tpu.vector_store %arg7[%swap3A_235], %gather3A_232 {strides = array<i32>} : memref<8192xf32, #tpu.memory_space<vmem>>, vector<16xf32>,
        %mul3A_237 = arith.constant 256 : i32
        %mul3A_238 = arith.muli %scan3A_200, %mul3A_237 : i32
        %add3A_239 = arith.constant 48 : i32
        %add3A_240 = arith.addi %mul3A_238, %add3A_239 : i32
        %add3A_241 = arith.constant 4096 : i32
        %add3A_242 = arith.addi %add3A_241, %add3A_240 : i32
        %get3A_243 = arith.index_cast %add3A_242 : i32 to index
        %get3A_244 = tpu.vector_load %arg6[%get3A_243] {strides = array<i32>} : memref<16384xi32, #tpu.memory_space<vmem>>, vector<16xi32>,
        %gather3A_245 = tpu.vector_load_idx %arg5[%get3A_244] : memref<100000xf32, #tpu.memory_space<vmem>>[vector<16xi32>], vector<16xf32>,
        %add3A_246 = arith.constant 4096 : i32
        %add3A_247 = arith.addi %add3A_246, %add3A_240 : i32
        %swap3A_248 = arith.index_cast %add3A_247 : i32 to index
        %swap3A_249 = tpu.vector_load %arg7[%swap3A_248] {strides = array<i32>} : memref<8192xf32, #tpu.memory_space<vmem>>, vector<16xf32>,
        tpu.vector_store %arg7[%swap3A_248], %gather3A_245 {strides = array<i32>} : memref<8192xf32, #tpu.memory_space<vmem>>, vector<16xf32>,
        %mul3A_250 = arith.constant 256 : i32
        %mul3A_251 = arith.muli %scan3A_200, %mul3A_250 : i32
        %add3A_252 = arith.constant 64 : i32
        %add3A_253 = arith.addi %mul3A_251, %add3A_252 : i32
        %add3A_254 = arith.constant 4096 : i32
        %add3A_255 = arith.addi %add3A_254, %add3A_253 : i32
        %get3A_256 = arith.index_cast %add3A_255 : i32 to index
        %get3A_257 = tpu.vector_load %arg6[%get3A_256] {strides = array<i32>} : memref<16384xi32, #tpu.memory_space<vmem>>, vector<16xi32>,
        %gather3A_258 = tpu.vector_load_idx %arg5[%get3A_257] : memref<100000xf32, #tpu.memory_space<vmem>>[vector<16xi32>], vector<16xf32>,
        %add3A_259 = arith.constant 4096 : i32
        %add3A_260 = arith.addi %add3A_259, %add3A_253 : i32
        %swap3A_261 = arith.index_cast %add3A_260 : i32 to index
        %swap3A_262 = tpu.vector_load %arg7[%swap3A_261] {strides = array<i32>} : memref<8192xf32, #tpu.memory_space<vmem>>, vector<16xf32>,
        tpu.vector_store %arg7[%swap3A_261], %gather3A_258 {strides = array<i32>} : memref<8192xf32, #tpu.memory_space<vmem>>, vector<16xf32>,
        %mul3A_263 = arith.constant 256 : i32
        %mul3A_264 = arith.muli %scan3A_200, %mul3A_263 : i32
        %add3A_265 = arith.constant 80 : i32
        %add3A_266 = arith.addi %mul3A_264, %add3A_265 : i32
        %add3A_267 = arith.constant 4096 : i32
        %add3A_268 = arith.addi %add3A_267, %add3A_266 : i32
        %get3A_269 = arith.index_cast %add3A_268 : i32 to index
        %get3A_270 = tpu.vector_load %arg6[%get3A_269] {strides = array<i32>} : memref<16384xi32, #tpu.memory_space<vmem>>, vector<16xi32>,
        %gather3A_271 = tpu.vector_load_idx %arg5[%get3A_270] : memref<100000xf32, #tpu.memory_space<vmem>>[vector<16xi32>], vector<16xf32>,
        %add3A_272 = arith.constant 4096 : i32
        %add3A_273 = arith.addi %add3A_272, %add3A_266 : i32
        %swap3A_274 = arith.index_cast %add3A_273 : i32 to index
        %swap3A_275 = tpu.vector_load %arg7[%swap3A_274] {strides = array<i32>} : memref<8192xf32, #tpu.memory_space<vmem>>, vector<16xf32>,
        tpu.vector_store %arg7[%swap3A_274], %gather3A_271 {strides = array<i32>} : memref<8192xf32, #tpu.memory_space<vmem>>, vector<16xf32>,
        %mul3A_276 = arith.constant 256 : i32
        %mul3A_277 = arith.muli %scan3A_200, %mul3A_276 : i32
        %add3A_278 = arith.constant 96 : i32
        %add3A_279 = arith.addi %mul3A_277, %add3A_278 : i32
        %add3A_280 = arith.constant 4096 : i32
        %add3A_281 = arith.addi %add3A_280, %add3A_279 : i32
        %get3A_282 = arith.index_cast %add3A_281 : i32 to index
        %get3A_283 = tpu.vector_load %arg6[%get3A_282] {strides = array<i32>} : memref<16384xi32, #tpu.memory_space<vmem>>, vector<16xi32>,
        %gather3A_284 = tpu.vector_load_idx %arg5[%get3A_283] : memref<100000xf32, #tpu.memory_space<vmem>>[vector<16xi32>], vector<16xf32>,
        %add3A_285 = arith.constant 4096 : i32
        %add3A_286 = arith.addi %add3A_285, %add3A_279 : i32
        %swap3A_287 = arith.index_cast %add3A_286 : i32 to index
        %swap3A_288 = tpu.vector_load %arg7[%swap3A_287] {strides = array<i32>} : memref<8192xf32, #tpu.memory_space<vmem>>, vector<16xf32>,
        tpu.vector_store %arg7[%swap3A_287], %gather3A_284 {strides = array<i32>} : memref<8192xf32, #tpu.memory_space<vmem>>, vector<16xf32>,
        %mul3A_289 = arith.constant 256 : i32
        %mul3A_290 = arith.muli %scan3A_200, %mul3A_289 : i32
        %add3A_291 = arith.constant 112 : i32
        %add3A_292 = arith.addi %mul3A_290, %add3A_291 : i32
        %add3A_293 = arith.constant 4096 : i32
        %add3A_294 = arith.addi %add3A_293, %add3A_292 : i32
        %get3A_295 = arith.index_cast %add3A_294 : i32 to index
        %get3A_296 = tpu.vector_load %arg6[%get3A_295] {strides = array<i32>} : memref<16384xi32, #tpu.memory_space<vmem>>, vector<16xi32>,
        %gather3A_297 = tpu.vector_load_idx %arg5[%get3A_296] : memref<100000xf32, #tpu.memory_space<vmem>>[vector<16xi32>], vector<16xf32>,
        %add3A_298 = arith.constant 4096 : i32
        %add3A_299 = arith.addi %add3A_298, %add3A_292 : i32
        %swap3A_300 = arith.index_cast %add3A_299 : i32 to index
        %swap3A_301 = tpu.vector_load %arg7[%swap3A_300] {strides = array<i32>} : memref<8192xf32, #tpu.memory_space<vmem>>, vector<16xf32>,
        tpu.vector_store %arg7[%swap3A_300], %gather3A_297 {strides = array<i32>} : memref<8192xf32, #tpu.memory_space<vmem>>, vector<16xf32>,
        %mul3A_302 = arith.constant 256 : i32
        %mul3A_303 = arith.muli %scan3A_200, %mul3A_302 : i32
        %add3A_304 = arith.constant 128 : i32
        %add3A_305 = arith.addi %mul3A_303, %add3A_304 : i32
        %add3A_306 = arith.constant 4096 : i32
        %add3A_307 = arith.addi %add3A_306, %add3A_305 : i32
        %get3A_308 = arith.index_cast %add3A_307 : i32 to index
        %get3A_309 = tpu.vector_load %arg6[%get3A_308] {strides = array<i32>} : memref<16384xi32, #tpu.memory_space<vmem>>, vector<16xi32>,
        %gather3A_310 = tpu.vector_load_idx %arg5[%get3A_309] : memref<100000xf32, #tpu.memory_space<vmem>>[vector<16xi32>], vector<16xf32>,
        %add3A_311 = arith.constant 4096 : i32
        %add3A_312 = arith.addi %add3A_311, %add3A_305 : i32
        %swap3A_313 = arith.index_cast %add3A_312 : i32 to index
        %swap3A_314 = tpu.vector_load %arg7[%swap3A_313] {strides = array<i32>} : memref<8192xf32, #tpu.memory_space<vmem>>, vector<16xf32>,
        tpu.vector_store %arg7[%swap3A_313], %gather3A_310 {strides = array<i32>} : memref<8192xf32, #tpu.memory_space<vmem>>, vector<16xf32>,
        %mul3A_315 = arith.constant 256 : i32
        %mul3A_316 = arith.muli %scan3A_200, %mul3A_315 : i32
        %add3A_317 = arith.constant 144 : i32
        %add3A_318 = arith.addi %mul3A_316, %add3A_317 : i32
        %add3A_319 = arith.constant 4096 : i32
        %add3A_320 = arith.addi %add3A_319, %add3A_318 : i32
        %get3A_321 = arith.index_cast %add3A_320 : i32 to index
        %get3A_322 = tpu.vector_load %arg6[%get3A_321] {strides = array<i32>} : memref<16384xi32, #tpu.memory_space<vmem>>, vector<16xi32>,
        %gather3A_323 = tpu.vector_load_idx %arg5[%get3A_322] : memref<100000xf32, #tpu.memory_space<vmem>>[vector<16xi32>], vector<16xf32>,
        %add3A_324 = arith.constant 4096 : i32
        %add3A_325 = arith.addi %add3A_324, %add3A_318 : i32
        %swap3A_326 = arith.index_cast %add3A_325 : i32 to index
        %swap3A_327 = tpu.vector_load %arg7[%swap3A_326] {strides = array<i32>} : memref<8192xf32, #tpu.memory_space<vmem>>, vector<16xf32>,
        tpu.vector_store %arg7[%swap3A_326], %gather3A_323 {strides = array<i32>} : memref<8192xf32, #tpu.memory_space<vmem>>, vector<16xf32>,
        %mul3A_328 = arith.constant 256 : i32
        %mul3A_329 = arith.muli %scan3A_200, %mul3A_328 : i32
        %add3A_330 = arith.constant 160 : i32
        %add3A_331 = arith.addi %mul3A_329, %add3A_330 : i32
        %add3A_332 = arith.constant 4096 : i32
        %add3A_333 = arith.addi %add3A_332, %add3A_331 : i32
        %get3A_334 = arith.index_cast %add3A_333 : i32 to index
        %get3A_335 = tpu.vector_load %arg6[%get3A_334] {strides = array<i32>} : memref<16384xi32, #tpu.memory_space<vmem>>, vector<16xi32>,
        %gather3A_336 = tpu.vector_load_idx %arg5[%get3A_335] : memref<100000xf32, #tpu.memory_space<vmem>>[vector<16xi32>], vector<16xf32>,
        %add3A_337 = arith.constant 4096 : i32
        %add3A_338 = arith.addi %add3A_337, %add3A_331 : i32
        %swap3A_339 = arith.index_cast %add3A_338 : i32 to index
        %swap3A_340 = tpu.vector_load %arg7[%swap3A_339] {strides = array<i32>} : memref<8192xf32, #tpu.memory_space<vmem>>, vector<16xf32>,
        tpu.vector_store %arg7[%swap3A_339], %gather3A_336 {strides = array<i32>} : memref<8192xf32, #tpu.memory_space<vmem>>, vector<16xf32>,
        %mul3A_341 = arith.constant 256 : i32
        %mul3A_342 = arith.muli %scan3A_200, %mul3A_341 : i32
        %add3A_343 = arith.constant 176 : i32
        %add3A_344 = arith.addi %mul3A_342, %add3A_343 : i32
        %add3A_345 = arith.constant 4096 : i32
        %add3A_346 = arith.addi %add3A_345, %add3A_344 : i32
        %get3A_347 = arith.index_cast %add3A_346 : i32 to index
        %get3A_348 = tpu.vector_load %arg6[%get3A_347] {strides = array<i32>} : memref<16384xi32, #tpu.memory_space<vmem>>, vector<16xi32>,
        %gather3A_349 = tpu.vector_load_idx %arg5[%get3A_348] : memref<100000xf32, #tpu.memory_space<vmem>>[vector<16xi32>], vector<16xf32>,
        %add3A_350 = arith.constant 4096 : i32
        %add3A_351 = arith.addi %add3A_350, %add3A_344 : i32
        %swap3A_352 = arith.index_cast %add3A_351 : i32 to index
        %swap3A_353 = tpu.vector_load %arg7[%swap3A_352] {strides = array<i32>} : memref<8192xf32, #tpu.memory_space<vmem>>, vector<16xf32>,
        tpu.vector_store %arg7[%swap3A_352], %gather3A_349 {strides = array<i32>} : memref<8192xf32, #tpu.memory_space<vmem>>, vector<16xf32>,
        %mul3A_354 = arith.constant 256 : i32
        %mul3A_355 = arith.muli %scan3A_200, %mul3A_354 : i32
        %add3A_356 = arith.constant 192 : i32
        %add3A_357 = arith.addi %mul3A_355, %add3A_356 : i32
        %add3A_358 = arith.constant 4096 : i32
        %add3A_359 = arith.addi %add3A_358, %add3A_357 : i32
        %get3A_360 = arith.index_cast %add3A_359 : i32 to index
        %get3A_361 = tpu.vector_load %arg6[%get3A_360] {strides = array<i32>} : memref<16384xi32, #tpu.memory_space<vmem>>, vector<16xi32>,
        %gather3A_362 = tpu.vector_load_idx %arg5[%get3A_361] : memref<100000xf32, #tpu.memory_space<vmem>>[vector<16xi32>], vector<16xf32>,
        %add3A_363 = arith.constant 4096 : i32
        %add3A_364 = arith.addi %add3A_363, %add3A_357 : i32
        %swap3A_365 = arith.index_cast %add3A_364 : i32 to index
        %swap3A_366 = tpu.vector_load %arg7[%swap3A_365] {strides = array<i32>} : memref<8192xf32, #tpu.memory_space<vmem>>, vector<16xf32>,
        tpu.vector_store %arg7[%swap3A_365], %gather3A_362 {strides = array<i32>} : memref<8192xf32, #tpu.memory_space<vmem>>, vector<16xf32>,
        %mul3A_367 = arith.constant 256 : i32
        %mul3A_368 = arith.muli %scan3A_200, %mul3A_367 : i32
        %add3A_369 = arith.constant 208 : i32
        %add3A_370 = arith.addi %mul3A_368, %add3A_369 : i32
        %add3A_371 = arith.constant 4096 : i32
        %add3A_372 = arith.addi %add3A_371, %add3A_370 : i32
        %get3A_373 = arith.index_cast %add3A_372 : i32 to index
        %get3A_374 = tpu.vector_load %arg6[%get3A_373] {strides = array<i32>} : memref<16384xi32, #tpu.memory_space<vmem>>, vector<16xi32>,
        %gather3A_375 = tpu.vector_load_idx %arg5[%get3A_374] : memref<100000xf32, #tpu.memory_space<vmem>>[vector<16xi32>], vector<16xf32>,
        %add3A_376 = arith.constant 4096 : i32
        %add3A_377 = arith.addi %add3A_376, %add3A_370 : i32
        %swap3A_378 = arith.index_cast %add3A_377 : i32 to index
        %swap3A_379 = tpu.vector_load %arg7[%swap3A_378] {strides = array<i32>} : memref<8192xf32, #tpu.memory_space<vmem>>, vector<16xf32>,
        tpu.vector_store %arg7[%swap3A_378], %gather3A_375 {strides = array<i32>} : memref<8192xf32, #tpu.memory_space<vmem>>, vector<16xf32>,
        %mul3A_380 = arith.constant 256 : i32
        %mul3A_381 = arith.muli %scan3A_200, %mul3A_380 : i32
        %add3A_382 = arith.constant 224 : i32
        %add3A_383 = arith.addi %mul3A_381, %add3A_382 : i32
        %add3A_384 = arith.constant 4096 : i32
        %add3A_385 = arith.addi %add3A_384, %add3A_383 : i32
        %get3A_386 = arith.index_cast %add3A_385 : i32 to index
        %get3A_387 = tpu.vector_load %arg6[%get3A_386] {strides = array<i32>} : memref<16384xi32, #tpu.memory_space<vmem>>, vector<16xi32>,
        %gather3A_388 = tpu.vector_load_idx %arg5[%get3A_387] : memref<100000xf32, #tpu.memory_space<vmem>>[vector<16xi32>], vector<16xf32>,
        %add3A_389 = arith.constant 4096 : i32
        %add3A_390 = arith.addi %add3A_389, %add3A_383 : i32
        %swap3A_391 = arith.index_cast %add3A_390 : i32 to index
        %swap3A_392 = tpu.vector_load %arg7[%swap3A_391] {strides = array<i32>} : memref<8192xf32, #tpu.memory_space<vmem>>, vector<16xf32>,
        tpu.vector_store %arg7[%swap3A_391], %gather3A_388 {strides = array<i32>} : memref<8192xf32, #tpu.memory_space<vmem>>, vector<16xf32>,
        %mul3A_393 = arith.constant 256 : i32
        %mul3A_394 = arith.muli %scan3A_200, %mul3A_393 : i32
        %add3A_395 = arith.constant 240 : i32
        %add3A_396 = arith.addi %mul3A_394, %add3A_395 : i32
        %add3A_397 = arith.constant 4096 : i32
        %add3A_398 = arith.addi %add3A_397, %add3A_396 : i32
        %get3A_399 = arith.index_cast %add3A_398 : i32 to index
        %get3A_400 = tpu.vector_load %arg6[%get3A_399] {strides = array<i32>} : memref<16384xi32, #tpu.memory_space<vmem>>, vector<16xi32>,
        %gather3A_401 = tpu.vector_load_idx %arg5[%get3A_400] : memref<100000xf32, #tpu.memory_space<vmem>>[vector<16xi32>], vector<16xf32>,
        %add3A_402 = arith.constant 4096 : i32
        %add3A_403 = arith.addi %add3A_402, %add3A_396 : i32
        %swap3A_404 = arith.index_cast %add3A_403 : i32 to index
        %swap3A_405 = tpu.vector_load %arg7[%swap3A_404] {strides = array<i32>} : memref<8192xf32, #tpu.memory_space<vmem>>, vector<16xf32>,
        tpu.vector_store %arg7[%swap3A_404], %gather3A_401 {strides = array<i32>} : memref<8192xf32, #tpu.memory_space<vmem>>, vector<16xf32>,
      }
      %scan3A_137 = arith.constant 16 : i32
      %dma_start3A_138 = arith.constant 4096 : i32
      %dma_start3A_139 = tpu.memref_slice %arg7[%dma_start3A_138] : memref<8192xf32, #tpu.memory_space<vmem>> -> memref<4096xf32, #tpu.memory_space<vmem>>
      %dma_start3A_140 = arith.constant 4096 : i32
      %dma_start3A_141 = tpu.memref_slice %arg4[%select_n3A_86, %select_n3A_102, %dma_start3A_140] : memref<26x16x16384xf32, #tpu.memory_space<hbm>> -> memref<1x1x4096xf32, #tpu.memory_space<hbm>>
      %dma_start3A_142 = tpu.memref_squeeze %dma_start3A_141 : memref<1x1x4096xf32, #tpu.memory_space<hbm>> -> memref<4096xf32, #tpu.memory_space<hbm>>
      %dma_start3A_143 = arith.constant 4096 : i32
      %dma_start3A_144 = tpu.memref_slice %arg4[%select_n3A_86, %select_n3A_102, %dma_start3A_143] : memref<26x16x16384xf32, #tpu.memory_space<hbm>> -> memref<1x1x4096xf32, #tpu.memory_space<hbm>>
      %dma_start3A_145 = tpu.memref_squeeze %dma_start3A_144 : memref<1x1x4096xf32, #tpu.memory_space<hbm>> -> memref<4096xf32, #tpu.memory_space<hbm>>
      %dma_start3A_146 = arith.constant 4096 : i32
      %dma_start3A_147 = tpu.memref_slice %arg7[%dma_start3A_146] : memref<8192xf32, #tpu.memory_space<vmem>> -> memref<4096xf32, #tpu.memory_space<vmem>>
      tpu.enqueue_dma source(%dma_start3A_147 : memref<4096xf32, #tpu.memory_space<vmem>>) target(%dma_start3A_145 : memref<4096xf32, #tpu.memory_space<hbm>>) target_semaphore(%arg9 : memref<!tpu.dma_semaphore, #tpu.memory_space<semaphore_mem>>)
      %dma_wait3A_148 = arith.constant 0 : i32
      %dma_wait3A_149 = tpu.memref_slice %arg7[%dma_wait3A_148] : memref<8192xf32, #tpu.memory_space<vmem>> -> memref<4096xf32, #tpu.memory_space<vmem>>
      %dma_wait3A_150 = arith.constant 8192 : i32
      %dma_wait3A_151 = tpu.memref_slice %arg4[%select_n3A_86, %select_n3A_102, %dma_wait3A_150] : memref<26x16x16384xf32, #tpu.memory_space<hbm>> -> memref<1x1x4096xf32, #tpu.memory_space<hbm>>
      %dma_wait3A_152 = tpu.memref_squeeze %dma_wait3A_151 : memref<1x1x4096xf32, #tpu.memory_space<hbm>> -> memref<4096xf32, #tpu.memory_space<hbm>>
      %dma_wait3A_153 = arith.constant 0 : i32
      %dma_wait3A_154 = tpu.memref_slice %arg7[%dma_wait3A_153] : memref<8192xf32, #tpu.memory_space<vmem>> -> memref<4096xf32, #tpu.memory_space<vmem>>
      %dma_wait3A_155 = arith.constant 8192 : i32
      %dma_wait3A_156 = tpu.memref_slice %arg4[%select_n3A_86, %select_n3A_102, %dma_wait3A_155] : memref<26x16x16384xf32, #tpu.memory_space<hbm>> -> memref<1x1x4096xf32, #tpu.memory_space<hbm>>
      %dma_wait3A_157 = tpu.memref_squeeze %dma_wait3A_156 : memref<1x1x4096xf32, #tpu.memory_space<hbm>> -> memref<4096xf32, #tpu.memory_space<hbm>>
      tpu.wait_dma2 semaphore(%arg8 : memref<!tpu.dma_semaphore, #tpu.memory_space<semaphore_mem>>) src(%dma_wait3A_157 : memref<4096xf32, #tpu.memory_space<hbm>>) dst(%dma_wait3A_154 : memref<4096xf32, #tpu.memory_space<vmem>>)
      %scan3A_158 = arith.constant 0 : i32
      %scan3A_159 = arith.constant 0 : i32
      %scan3A_160 = arith.constant 16 : i32
      %scan3A_161 = arith.addi %scan3A_159, %scan3A_160 : i32
      %scan3A_162 = arith.constant 1 : i32
      scf.for %scan3A_200 = %scan3A_159 to %scan3A_161 step %scan3A_162  : i32 {
        %mul3A_201 = arith.constant 256 : i32
        %mul3A_202 = arith.muli %scan3A_200, %mul3A_201 : i32
        %add3A_203 = arith.constant 0 : i32
        %add3A_204 = arith.addi %mul3A_202, %add3A_203 : i32
        %add3A_205 = arith.constant 8192 : i32
        %add3A_206 = arith.addi %add3A_205, %add3A_204 : i32
        %get3A = arith.index_cast %add3A_206 : i32 to index
        %get3A_207 = tpu.vector_load %arg6[%get3A] {strides = array<i32>} : memref<16384xi32, #tpu.memory_space<vmem>>, vector<16xi32>,
        %gather3A = tpu.vector_load_idx %arg5[%get3A_207] : memref<100000xf32, #tpu.memory_space<vmem>>[vector<16xi32>], vector<16xf32>,
        %add3A_208 = arith.constant 0 : i32
        %add3A_209 = arith.addi %add3A_208, %add3A_204 : i32
        %swap3A = arith.index_cast %add3A_209 : i32 to index
        %swap3A_210 = tpu.vector_load %arg7[%swap3A] {strides = array<i32>} : memref<8192xf32, #tpu.memory_space<vmem>>, vector<16xf32>,
        tpu.vector_store %arg7[%swap3A], %gather3A {strides = array<i32>} : memref<8192xf32, #tpu.memory_space<vmem>>, vector<16xf32>,
        %mul3A_211 = arith.constant 256 : i32
        %mul3A_212 = arith.muli %scan3A_200, %mul3A_211 : i32
        %add3A_213 = arith.constant 16 : i32
        %add3A_214 = arith.addi %mul3A_212, %add3A_213 : i32
        %add3A_215 = arith.constant 8192 : i32
        %add3A_216 = arith.addi %add3A_215, %add3A_214 : i32
        %get3A_217 = arith.index_cast %add3A_216 : i32 to index
        %get3A_218 = tpu.vector_load %arg6[%get3A_217] {strides = array<i32>} : memref<16384xi32, #tpu.memory_space<vmem>>, vector<16xi32>,
        %gather3A_219 = tpu.vector_load_idx %arg5[%get3A_218] : memref<100000xf32, #tpu.memory_space<vmem>>[vector<16xi32>], vector<16xf32>,
        %add3A_220 = arith.constant 0 : i32
        %add3A_221 = arith.addi %add3A_220, %add3A_214 : i32
        %swap3A_222 = arith.index_cast %add3A_221 : i32 to index
        %swap3A_223 = tpu.vector_load %arg7[%swap3A_222] {strides = array<i32>} : memref<8192xf32, #tpu.memory_space<vmem>>, vector<16xf32>,
        tpu.vector_store %arg7[%swap3A_222], %gather3A_219 {strides = array<i32>} : memref<8192xf32, #tpu.memory_space<vmem>>, vector<16xf32>,
        %mul3A_224 = arith.constant 256 : i32
        %mul3A_225 = arith.muli %scan3A_200, %mul3A_224 : i32
        %add3A_226 = arith.constant 32 : i32
        %add3A_227 = arith.addi %mul3A_225, %add3A_226 : i32
        %add3A_228 = arith.constant 8192 : i32
        %add3A_229 = arith.addi %add3A_228, %add3A_227 : i32
        %get3A_230 = arith.index_cast %add3A_229 : i32 to index
        %get3A_231 = tpu.vector_load %arg6[%get3A_230] {strides = array<i32>} : memref<16384xi32, #tpu.memory_space<vmem>>, vector<16xi32>,
        %gather3A_232 = tpu.vector_load_idx %arg5[%get3A_231] : memref<100000xf32, #tpu.memory_space<vmem>>[vector<16xi32>], vector<16xf32>,
        %add3A_233 = arith.constant 0 : i32
        %add3A_234 = arith.addi %add3A_233, %add3A_227 : i32
        %swap3A_235 = arith.index_cast %add3A_234 : i32 to index
        %swap3A_236 = tpu.vector_load %arg7[%swap3A_235] {strides = array<i32>} : memref<8192xf32, #tpu.memory_space<vmem>>, vector<16xf32>,
        tpu.vector_store %arg7[%swap3A_235], %gather3A_232 {strides = array<i32>} : memref<8192xf32, #tpu.memory_space<vmem>>, vector<16xf32>,
        %mul3A_237 = arith.constant 256 : i32
        %mul3A_238 = arith.muli %scan3A_200, %mul3A_237 : i32
        %add3A_239 = arith.constant 48 : i32
        %add3A_240 = arith.addi %mul3A_238, %add3A_239 : i32
        %add3A_241 = arith.constant 8192 : i32
        %add3A_242 = arith.addi %add3A_241, %add3A_240 : i32
        %get3A_243 = arith.index_cast %add3A_242 : i32 to index
        %get3A_244 = tpu.vector_load %arg6[%get3A_243] {strides = array<i32>} : memref<16384xi32, #tpu.memory_space<vmem>>, vector<16xi32>,
        %gather3A_245 = tpu.vector_load_idx %arg5[%get3A_244] : memref<100000xf32, #tpu.memory_space<vmem>>[vector<16xi32>], vector<16xf32>,
        %add3A_246 = arith.constant 0 : i32
        %add3A_247 = arith.addi %add3A_246, %add3A_240 : i32
        %swap3A_248 = arith.index_cast %add3A_247 : i32 to index
        %swap3A_249 = tpu.vector_load %arg7[%swap3A_248] {strides = array<i32>} : memref<8192xf32, #tpu.memory_space<vmem>>, vector<16xf32>,
        tpu.vector_store %arg7[%swap3A_248], %gather3A_245 {strides = array<i32>} : memref<8192xf32, #tpu.memory_space<vmem>>, vector<16xf32>,
        %mul3A_250 = arith.constant 256 : i32
        %mul3A_251 = arith.muli %scan3A_200, %mul3A_250 : i32
        %add3A_252 = arith.constant 64 : i32
        %add3A_253 = arith.addi %mul3A_251, %add3A_252 : i32
        %add3A_254 = arith.constant 8192 : i32
        %add3A_255 = arith.addi %add3A_254, %add3A_253 : i32
        %get3A_256 = arith.index_cast %add3A_255 : i32 to index
        %get3A_257 = tpu.vector_load %arg6[%get3A_256] {strides = array<i32>} : memref<16384xi32, #tpu.memory_space<vmem>>, vector<16xi32>,
        %gather3A_258 = tpu.vector_load_idx %arg5[%get3A_257] : memref<100000xf32, #tpu.memory_space<vmem>>[vector<16xi32>], vector<16xf32>,
        %add3A_259 = arith.constant 0 : i32
        %add3A_260 = arith.addi %add3A_259, %add3A_253 : i32
        %swap3A_261 = arith.index_cast %add3A_260 : i32 to index
        %swap3A_262 = tpu.vector_load %arg7[%swap3A_261] {strides = array<i32>} : memref<8192xf32, #tpu.memory_space<vmem>>, vector<16xf32>,
        tpu.vector_store %arg7[%swap3A_261], %gather3A_258 {strides = array<i32>} : memref<8192xf32, #tpu.memory_space<vmem>>, vector<16xf32>,
        %mul3A_263 = arith.constant 256 : i32
        %mul3A_264 = arith.muli %scan3A_200, %mul3A_263 : i32
        %add3A_265 = arith.constant 80 : i32
        %add3A_266 = arith.addi %mul3A_264, %add3A_265 : i32
        %add3A_267 = arith.constant 8192 : i32
        %add3A_268 = arith.addi %add3A_267, %add3A_266 : i32
        %get3A_269 = arith.index_cast %add3A_268 : i32 to index
        %get3A_270 = tpu.vector_load %arg6[%get3A_269] {strides = array<i32>} : memref<16384xi32, #tpu.memory_space<vmem>>, vector<16xi32>,
        %gather3A_271 = tpu.vector_load_idx %arg5[%get3A_270] : memref<100000xf32, #tpu.memory_space<vmem>>[vector<16xi32>], vector<16xf32>,
        %add3A_272 = arith.constant 0 : i32
        %add3A_273 = arith.addi %add3A_272, %add3A_266 : i32
        %swap3A_274 = arith.index_cast %add3A_273 : i32 to index
        %swap3A_275 = tpu.vector_load %arg7[%swap3A_274] {strides = array<i32>} : memref<8192xf32, #tpu.memory_space<vmem>>, vector<16xf32>,
        tpu.vector_store %arg7[%swap3A_274], %gather3A_271 {strides = array<i32>} : memref<8192xf32, #tpu.memory_space<vmem>>, vector<16xf32>,
        %mul3A_276 = arith.constant 256 : i32
        %mul3A_277 = arith.muli %scan3A_200, %mul3A_276 : i32
        %add3A_278 = arith.constant 96 : i32
        %add3A_279 = arith.addi %mul3A_277, %add3A_278 : i32
        %add3A_280 = arith.constant 8192 : i32
        %add3A_281 = arith.addi %add3A_280, %add3A_279 : i32
        %get3A_282 = arith.index_cast %add3A_281 : i32 to index
        %get3A_283 = tpu.vector_load %arg6[%get3A_282] {strides = array<i32>} : memref<16384xi32, #tpu.memory_space<vmem>>, vector<16xi32>,
        %gather3A_284 = tpu.vector_load_idx %arg5[%get3A_283] : memref<100000xf32, #tpu.memory_space<vmem>>[vector<16xi32>], vector<16xf32>,
        %add3A_285 = arith.constant 0 : i32
        %add3A_286 = arith.addi %add3A_285, %add3A_279 : i32
        %swap3A_287 = arith.index_cast %add3A_286 : i32 to index
        %swap3A_288 = tpu.vector_load %arg7[%swap3A_287] {strides = array<i32>} : memref<8192xf32, #tpu.memory_space<vmem>>, vector<16xf32>,
        tpu.vector_store %arg7[%swap3A_287], %gather3A_284 {strides = array<i32>} : memref<8192xf32, #tpu.memory_space<vmem>>, vector<16xf32>,
        %mul3A_289 = arith.constant 256 : i32
        %mul3A_290 = arith.muli %scan3A_200, %mul3A_289 : i32
        %add3A_291 = arith.constant 112 : i32
        %add3A_292 = arith.addi %mul3A_290, %add3A_291 : i32
        %add3A_293 = arith.constant 8192 : i32
        %add3A_294 = arith.addi %add3A_293, %add3A_292 : i32
        %get3A_295 = arith.index_cast %add3A_294 : i32 to index
        %get3A_296 = tpu.vector_load %arg6[%get3A_295] {strides = array<i32>} : memref<16384xi32, #tpu.memory_space<vmem>>, vector<16xi32>,
        %gather3A_297 = tpu.vector_load_idx %arg5[%get3A_296] : memref<100000xf32, #tpu.memory_space<vmem>>[vector<16xi32>], vector<16xf32>,
        %add3A_298 = arith.constant 0 : i32
        %add3A_299 = arith.addi %add3A_298, %add3A_292 : i32
        %swap3A_300 = arith.index_cast %add3A_299 : i32 to index
        %swap3A_301 = tpu.vector_load %arg7[%swap3A_300] {strides = array<i32>} : memref<8192xf32, #tpu.memory_space<vmem>>, vector<16xf32>,
        tpu.vector_store %arg7[%swap3A_300], %gather3A_297 {strides = array<i32>} : memref<8192xf32, #tpu.memory_space<vmem>>, vector<16xf32>,
        %mul3A_302 = arith.constant 256 : i32
        %mul3A_303 = arith.muli %scan3A_200, %mul3A_302 : i32
        %add3A_304 = arith.constant 128 : i32
        %add3A_305 = arith.addi %mul3A_303, %add3A_304 : i32
        %add3A_306 = arith.constant 8192 : i32
        %add3A_307 = arith.addi %add3A_306, %add3A_305 : i32
        %get3A_308 = arith.index_cast %add3A_307 : i32 to index
        %get3A_309 = tpu.vector_load %arg6[%get3A_308] {strides = array<i32>} : memref<16384xi32, #tpu.memory_space<vmem>>, vector<16xi32>,
        %gather3A_310 = tpu.vector_load_idx %arg5[%get3A_309] : memref<100000xf32, #tpu.memory_space<vmem>>[vector<16xi32>], vector<16xf32>,
        %add3A_311 = arith.constant 0 : i32
        %add3A_312 = arith.addi %add3A_311, %add3A_305 : i32
        %swap3A_313 = arith.index_cast %add3A_312 : i32 to index
        %swap3A_314 = tpu.vector_load %arg7[%swap3A_313] {strides = array<i32>} : memref<8192xf32, #tpu.memory_space<vmem>>, vector<16xf32>,
        tpu.vector_store %arg7[%swap3A_313], %gather3A_310 {strides = array<i32>} : memref<8192xf32, #tpu.memory_space<vmem>>, vector<16xf32>,
        %mul3A_315 = arith.constant 256 : i32
        %mul3A_316 = arith.muli %scan3A_200, %mul3A_315 : i32
        %add3A_317 = arith.constant 144 : i32
        %add3A_318 = arith.addi %mul3A_316, %add3A_317 : i32
        %add3A_319 = arith.constant 8192 : i32
        %add3A_320 = arith.addi %add3A_319, %add3A_318 : i32
        %get3A_321 = arith.index_cast %add3A_320 : i32 to index
        %get3A_322 = tpu.vector_load %arg6[%get3A_321] {strides = array<i32>} : memref<16384xi32, #tpu.memory_space<vmem>>, vector<16xi32>,
        %gather3A_323 = tpu.vector_load_idx %arg5[%get3A_322] : memref<100000xf32, #tpu.memory_space<vmem>>[vector<16xi32>], vector<16xf32>,
        %add3A_324 = arith.constant 0 : i32
        %add3A_325 = arith.addi %add3A_324, %add3A_318 : i32
        %swap3A_326 = arith.index_cast %add3A_325 : i32 to index
        %swap3A_327 = tpu.vector_load %arg7[%swap3A_326] {strides = array<i32>} : memref<8192xf32, #tpu.memory_space<vmem>>, vector<16xf32>,
        tpu.vector_store %arg7[%swap3A_326], %gather3A_323 {strides = array<i32>} : memref<8192xf32, #tpu.memory_space<vmem>>, vector<16xf32>,
        %mul3A_328 = arith.constant 256 : i32
        %mul3A_329 = arith.muli %scan3A_200, %mul3A_328 : i32
        %add3A_330 = arith.constant 160 : i32
        %add3A_331 = arith.addi %mul3A_329, %add3A_330 : i32
        %add3A_332 = arith.constant 8192 : i32
        %add3A_333 = arith.addi %add3A_332, %add3A_331 : i32
        %get3A_334 = arith.index_cast %add3A_333 : i32 to index
        %get3A_335 = tpu.vector_load %arg6[%get3A_334] {strides = array<i32>} : memref<16384xi32, #tpu.memory_space<vmem>>, vector<16xi32>,
        %gather3A_336 = tpu.vector_load_idx %arg5[%get3A_335] : memref<100000xf32, #tpu.memory_space<vmem>>[vector<16xi32>], vector<16xf32>,
        %add3A_337 = arith.constant 0 : i32
        %add3A_338 = arith.addi %add3A_337, %add3A_331 : i32
        %swap3A_339 = arith.index_cast %add3A_338 : i32 to index
        %swap3A_340 = tpu.vector_load %arg7[%swap3A_339] {strides = array<i32>} : memref<8192xf32, #tpu.memory_space<vmem>>, vector<16xf32>,
        tpu.vector_store %arg7[%swap3A_339], %gather3A_336 {strides = array<i32>} : memref<8192xf32, #tpu.memory_space<vmem>>, vector<16xf32>,
        %mul3A_341 = arith.constant 256 : i32
        %mul3A_342 = arith.muli %scan3A_200, %mul3A_341 : i32
        %add3A_343 = arith.constant 176 : i32
        %add3A_344 = arith.addi %mul3A_342, %add3A_343 : i32
        %add3A_345 = arith.constant 8192 : i32
        %add3A_346 = arith.addi %add3A_345, %add3A_344 : i32
        %get3A_347 = arith.index_cast %add3A_346 : i32 to index
        %get3A_348 = tpu.vector_load %arg6[%get3A_347] {strides = array<i32>} : memref<16384xi32, #tpu.memory_space<vmem>>, vector<16xi32>,
        %gather3A_349 = tpu.vector_load_idx %arg5[%get3A_348] : memref<100000xf32, #tpu.memory_space<vmem>>[vector<16xi32>], vector<16xf32>,
        %add3A_350 = arith.constant 0 : i32
        %add3A_351 = arith.addi %add3A_350, %add3A_344 : i32
        %swap3A_352 = arith.index_cast %add3A_351 : i32 to index
        %swap3A_353 = tpu.vector_load %arg7[%swap3A_352] {strides = array<i32>} : memref<8192xf32, #tpu.memory_space<vmem>>, vector<16xf32>,
        tpu.vector_store %arg7[%swap3A_352], %gather3A_349 {strides = array<i32>} : memref<8192xf32, #tpu.memory_space<vmem>>, vector<16xf32>,
        %mul3A_354 = arith.constant 256 : i32
        %mul3A_355 = arith.muli %scan3A_200, %mul3A_354 : i32
        %add3A_356 = arith.constant 192 : i32
        %add3A_357 = arith.addi %mul3A_355, %add3A_356 : i32
        %add3A_358 = arith.constant 8192 : i32
        %add3A_359 = arith.addi %add3A_358, %add3A_357 : i32
        %get3A_360 = arith.index_cast %add3A_359 : i32 to index
        %get3A_361 = tpu.vector_load %arg6[%get3A_360] {strides = array<i32>} : memref<16384xi32, #tpu.memory_space<vmem>>, vector<16xi32>,
        %gather3A_362 = tpu.vector_load_idx %arg5[%get3A_361] : memref<100000xf32, #tpu.memory_space<vmem>>[vector<16xi32>], vector<16xf32>,
        %add3A_363 = arith.constant 0 : i32
        %add3A_364 = arith.addi %add3A_363, %add3A_357 : i32
        %swap3A_365 = arith.index_cast %add3A_364 : i32 to index
        %swap3A_366 = tpu.vector_load %arg7[%swap3A_365] {strides = array<i32>} : memref<8192xf32, #tpu.memory_space<vmem>>, vector<16xf32>,
        tpu.vector_store %arg7[%swap3A_365], %gather3A_362 {strides = array<i32>} : memref<8192xf32, #tpu.memory_space<vmem>>, vector<16xf32>,
        %mul3A_367 = arith.constant 256 : i32
        %mul3A_368 = arith.muli %scan3A_200, %mul3A_367 : i32
        %add3A_369 = arith.constant 208 : i32
        %add3A_370 = arith.addi %mul3A_368, %add3A_369 : i32
        %add3A_371 = arith.constant 8192 : i32
        %add3A_372 = arith.addi %add3A_371, %add3A_370 : i32
        %get3A_373 = arith.index_cast %add3A_372 : i32 to index
        %get3A_374 = tpu.vector_load %arg6[%get3A_373] {strides = array<i32>} : memref<16384xi32, #tpu.memory_space<vmem>>, vector<16xi32>,
        %gather3A_375 = tpu.vector_load_idx %arg5[%get3A_374] : memref<100000xf32, #tpu.memory_space<vmem>>[vector<16xi32>], vector<16xf32>,
        %add3A_376 = arith.constant 0 : i32
        %add3A_377 = arith.addi %add3A_376, %add3A_370 : i32
        %swap3A_378 = arith.index_cast %add3A_377 : i32 to index
        %swap3A_379 = tpu.vector_load %arg7[%swap3A_378] {strides = array<i32>} : memref<8192xf32, #tpu.memory_space<vmem>>, vector<16xf32>,
        tpu.vector_store %arg7[%swap3A_378], %gather3A_375 {strides = array<i32>} : memref<8192xf32, #tpu.memory_space<vmem>>, vector<16xf32>,
        %mul3A_380 = arith.constant 256 : i32
        %mul3A_381 = arith.muli %scan3A_200, %mul3A_380 : i32
        %add3A_382 = arith.constant 224 : i32
        %add3A_383 = arith.addi %mul3A_381, %add3A_382 : i32
        %add3A_384 = arith.constant 8192 : i32
        %add3A_385 = arith.addi %add3A_384, %add3A_383 : i32
        %get3A_386 = arith.index_cast %add3A_385 : i32 to index
        %get3A_387 = tpu.vector_load %arg6[%get3A_386] {strides = array<i32>} : memref<16384xi32, #tpu.memory_space<vmem>>, vector<16xi32>,
        %gather3A_388 = tpu.vector_load_idx %arg5[%get3A_387] : memref<100000xf32, #tpu.memory_space<vmem>>[vector<16xi32>], vector<16xf32>,
        %add3A_389 = arith.constant 0 : i32
        %add3A_390 = arith.addi %add3A_389, %add3A_383 : i32
        %swap3A_391 = arith.index_cast %add3A_390 : i32 to index
        %swap3A_392 = tpu.vector_load %arg7[%swap3A_391] {strides = array<i32>} : memref<8192xf32, #tpu.memory_space<vmem>>, vector<16xf32>,
        tpu.vector_store %arg7[%swap3A_391], %gather3A_388 {strides = array<i32>} : memref<8192xf32, #tpu.memory_space<vmem>>, vector<16xf32>,
        %mul3A_393 = arith.constant 256 : i32
        %mul3A_394 = arith.muli %scan3A_200, %mul3A_393 : i32
        %add3A_395 = arith.constant 240 : i32
        %add3A_396 = arith.addi %mul3A_394, %add3A_395 : i32
        %add3A_397 = arith.constant 8192 : i32
        %add3A_398 = arith.addi %add3A_397, %add3A_396 : i32
        %get3A_399 = arith.index_cast %add3A_398 : i32 to index
        %get3A_400 = tpu.vector_load %arg6[%get3A_399] {strides = array<i32>} : memref<16384xi32, #tpu.memory_space<vmem>>, vector<16xi32>,
        %gather3A_401 = tpu.vector_load_idx %arg5[%get3A_400] : memref<100000xf32, #tpu.memory_space<vmem>>[vector<16xi32>], vector<16xf32>,
        %add3A_402 = arith.constant 0 : i32
        %add3A_403 = arith.addi %add3A_402, %add3A_396 : i32
        %swap3A_404 = arith.index_cast %add3A_403 : i32 to index
        %swap3A_405 = tpu.vector_load %arg7[%swap3A_404] {strides = array<i32>} : memref<8192xf32, #tpu.memory_space<vmem>>, vector<16xf32>,
        tpu.vector_store %arg7[%swap3A_404], %gather3A_401 {strides = array<i32>} : memref<8192xf32, #tpu.memory_space<vmem>>, vector<16xf32>,
      }
      %scan3A_163 = arith.constant 16 : i32
      %dma_start3A_164 = arith.constant 0 : i32
      %dma_start3A_165 = tpu.memref_slice %arg7[%dma_start3A_164] : memref<8192xf32, #tpu.memory_space<vmem>> -> memref<4096xf32, #tpu.memory_space<vmem>>
      %dma_start3A_166 = arith.constant 8192 : i32
      %dma_start3A_167 = tpu.memref_slice %arg4[%select_n3A_86, %select_n3A_102, %dma_start3A_166] : memref<26x16x16384xf32, #tpu.memory_space<hbm>> -> memref<1x1x4096xf32, #tpu.memory_space<hbm>>
      %dma_start3A_168 = tpu.memref_squeeze %dma_start3A_167 : memref<1x1x4096xf32, #tpu.memory_space<hbm>> -> memref<4096xf32, #tpu.memory_space<hbm>>
      %dma_start3A_169 = arith.constant 8192 : i32
      %dma_start3A_170 = tpu.memref_slice %arg4[%select_n3A_86, %select_n3A_102, %dma_start3A_169] : memref<26x16x16384xf32, #tpu.memory_space<hbm>> -> memref<1x1x4096xf32, #tpu.memory_space<hbm>>
      %dma_start3A_171 = tpu.memref_squeeze %dma_start3A_170 : memref<1x1x4096xf32, #tpu.memory_space<hbm>> -> memref<4096xf32, #tpu.memory_space<hbm>>
      %dma_start3A_172 = arith.constant 0 : i32
      %dma_start3A_173 = tpu.memref_slice %arg7[%dma_start3A_172] : memref<8192xf32, #tpu.memory_space<vmem>> -> memref<4096xf32, #tpu.memory_space<vmem>>
      tpu.enqueue_dma source(%dma_start3A_173 : memref<4096xf32, #tpu.memory_space<vmem>>) target(%dma_start3A_171 : memref<4096xf32, #tpu.memory_space<hbm>>) target_semaphore(%arg8 : memref<!tpu.dma_semaphore, #tpu.memory_space<semaphore_mem>>)
      %dma_wait3A_174 = arith.constant 4096 : i32
      %dma_wait3A_175 = tpu.memref_slice %arg7[%dma_wait3A_174] : memref<8192xf32, #tpu.memory_space<vmem>> -> memref<4096xf32, #tpu.memory_space<vmem>>
      %dma_wait3A_176 = arith.constant 12288 : i32
      %dma_wait3A_177 = tpu.memref_slice %arg4[%select_n3A_86, %select_n3A_102, %dma_wait3A_176] : memref<26x16x16384xf32, #tpu.memory_space<hbm>> -> memref<1x1x4096xf32, #tpu.memory_space<hbm>>
      %dma_wait3A_178 = tpu.memref_squeeze %dma_wait3A_177 : memref<1x1x4096xf32, #tpu.memory_space<hbm>> -> memref<4096xf32, #tpu.memory_space<hbm>>
      %dma_wait3A_179 = arith.constant 4096 : i32
      %dma_wait3A_180 = tpu.memref_slice %arg7[%dma_wait3A_179] : memref<8192xf32, #tpu.memory_space<vmem>> -> memref<4096xf32, #tpu.memory_space<vmem>>
      %dma_wait3A_181 = arith.constant 12288 : i32
      %dma_wait3A_182 = tpu.memref_slice %arg4[%select_n3A_86, %select_n3A_102, %dma_wait3A_181] : memref<26x16x16384xf32, #tpu.memory_space<hbm>> -> memref<1x1x4096xf32, #tpu.memory_space<hbm>>
      %dma_wait3A_183 = tpu.memref_squeeze %dma_wait3A_182 : memref<1x1x4096xf32, #tpu.memory_space<hbm>> -> memref<4096xf32, #tpu.memory_space<hbm>>
      tpu.wait_dma2 semaphore(%arg9 : memref<!tpu.dma_semaphore, #tpu.memory_space<semaphore_mem>>) src(%dma_wait3A_183 : memref<4096xf32, #tpu.memory_space<hbm>>) dst(%dma_wait3A_180 : memref<4096xf32, #tpu.memory_space<vmem>>)
      %scan3A_184 = arith.constant 0 : i32
      %scan3A_185 = arith.constant 0 : i32
      %scan3A_186 = arith.constant 16 : i32
      %scan3A_187 = arith.addi %scan3A_185, %scan3A_186 : i32
      %scan3A_188 = arith.constant 1 : i32
      scf.for %scan3A_200 = %scan3A_185 to %scan3A_187 step %scan3A_188  : i32 {
        %mul3A_201 = arith.constant 256 : i32
        %mul3A_202 = arith.muli %scan3A_200, %mul3A_201 : i32
        %add3A_203 = arith.constant 0 : i32
        %add3A_204 = arith.addi %mul3A_202, %add3A_203 : i32
        %add3A_205 = arith.constant 12288 : i32
        %add3A_206 = arith.addi %add3A_205, %add3A_204 : i32
        %get3A = arith.index_cast %add3A_206 : i32 to index
        %get3A_207 = tpu.vector_load %arg6[%get3A] {strides = array<i32>} : memref<16384xi32, #tpu.memory_space<vmem>>, vector<16xi32>,
        %gather3A = tpu.vector_load_idx %arg5[%get3A_207] : memref<100000xf32, #tpu.memory_space<vmem>>[vector<16xi32>], vector<16xf32>,
        %add3A_208 = arith.constant 4096 : i32
        %add3A_209 = arith.addi %add3A_208, %add3A_204 : i32
        %swap3A = arith.index_cast %add3A_209 : i32 to index
        %swap3A_210 = tpu.vector_load %arg7[%swap3A] {strides = array<i32>} : memref<8192xf32, #tpu.memory_space<vmem>>, vector<16xf32>,
        tpu.vector_store %arg7[%swap3A], %gather3A {strides = array<i32>} : memref<8192xf32, #tpu.memory_space<vmem>>, vector<16xf32>,
        %mul3A_211 = arith.constant 256 : i32
        %mul3A_212 = arith.muli %scan3A_200, %mul3A_211 : i32
        %add3A_213 = arith.constant 16 : i32
        %add3A_214 = arith.addi %mul3A_212, %add3A_213 : i32
        %add3A_215 = arith.constant 12288 : i32
        %add3A_216 = arith.addi %add3A_215, %add3A_214 : i32
        %get3A_217 = arith.index_cast %add3A_216 : i32 to index
        %get3A_218 = tpu.vector_load %arg6[%get3A_217] {strides = array<i32>} : memref<16384xi32, #tpu.memory_space<vmem>>, vector<16xi32>,
        %gather3A_219 = tpu.vector_load_idx %arg5[%get3A_218] : memref<100000xf32, #tpu.memory_space<vmem>>[vector<16xi32>], vector<16xf32>,
        %add3A_220 = arith.constant 4096 : i32
        %add3A_221 = arith.addi %add3A_220, %add3A_214 : i32
        %swap3A_222 = arith.index_cast %add3A_221 : i32 to index
        %swap3A_223 = tpu.vector_load %arg7[%swap3A_222] {strides = array<i32>} : memref<8192xf32, #tpu.memory_space<vmem>>, vector<16xf32>,
        tpu.vector_store %arg7[%swap3A_222], %gather3A_219 {strides = array<i32>} : memref<8192xf32, #tpu.memory_space<vmem>>, vector<16xf32>,
        %mul3A_224 = arith.constant 256 : i32
        %mul3A_225 = arith.muli %scan3A_200, %mul3A_224 : i32
        %add3A_226 = arith.constant 32 : i32
        %add3A_227 = arith.addi %mul3A_225, %add3A_226 : i32
        %add3A_228 = arith.constant 12288 : i32
        %add3A_229 = arith.addi %add3A_228, %add3A_227 : i32
        %get3A_230 = arith.index_cast %add3A_229 : i32 to index
        %get3A_231 = tpu.vector_load %arg6[%get3A_230] {strides = array<i32>} : memref<16384xi32, #tpu.memory_space<vmem>>, vector<16xi32>,
        %gather3A_232 = tpu.vector_load_idx %arg5[%get3A_231] : memref<100000xf32, #tpu.memory_space<vmem>>[vector<16xi32>], vector<16xf32>,
        %add3A_233 = arith.constant 4096 : i32
        %add3A_234 = arith.addi %add3A_233, %add3A_227 : i32
        %swap3A_235 = arith.index_cast %add3A_234 : i32 to index
        %swap3A_236 = tpu.vector_load %arg7[%swap3A_235] {strides = array<i32>} : memref<8192xf32, #tpu.memory_space<vmem>>, vector<16xf32>,
        tpu.vector_store %arg7[%swap3A_235], %gather3A_232 {strides = array<i32>} : memref<8192xf32, #tpu.memory_space<vmem>>, vector<16xf32>,
        %mul3A_237 = arith.constant 256 : i32
        %mul3A_238 = arith.muli %scan3A_200, %mul3A_237 : i32
        %add3A_239 = arith.constant 48 : i32
        %add3A_240 = arith.addi %mul3A_238, %add3A_239 : i32
        %add3A_241 = arith.constant 12288 : i32
        %add3A_242 = arith.addi %add3A_241, %add3A_240 : i32
        %get3A_243 = arith.index_cast %add3A_242 : i32 to index
        %get3A_244 = tpu.vector_load %arg6[%get3A_243] {strides = array<i32>} : memref<16384xi32, #tpu.memory_space<vmem>>, vector<16xi32>,
        %gather3A_245 = tpu.vector_load_idx %arg5[%get3A_244] : memref<100000xf32, #tpu.memory_space<vmem>>[vector<16xi32>], vector<16xf32>,
        %add3A_246 = arith.constant 4096 : i32
        %add3A_247 = arith.addi %add3A_246, %add3A_240 : i32
        %swap3A_248 = arith.index_cast %add3A_247 : i32 to index
        %swap3A_249 = tpu.vector_load %arg7[%swap3A_248] {strides = array<i32>} : memref<8192xf32, #tpu.memory_space<vmem>>, vector<16xf32>,
        tpu.vector_store %arg7[%swap3A_248], %gather3A_245 {strides = array<i32>} : memref<8192xf32, #tpu.memory_space<vmem>>, vector<16xf32>,
        %mul3A_250 = arith.constant 256 : i32
        %mul3A_251 = arith.muli %scan3A_200, %mul3A_250 : i32
        %add3A_252 = arith.constant 64 : i32
        %add3A_253 = arith.addi %mul3A_251, %add3A_252 : i32
        %add3A_254 = arith.constant 12288 : i32
        %add3A_255 = arith.addi %add3A_254, %add3A_253 : i32
        %get3A_256 = arith.index_cast %add3A_255 : i32 to index
        %get3A_257 = tpu.vector_load %arg6[%get3A_256] {strides = array<i32>} : memref<16384xi32, #tpu.memory_space<vmem>>, vector<16xi32>,
        %gather3A_258 = tpu.vector_load_idx %arg5[%get3A_257] : memref<100000xf32, #tpu.memory_space<vmem>>[vector<16xi32>], vector<16xf32>,
        %add3A_259 = arith.constant 4096 : i32
        %add3A_260 = arith.addi %add3A_259, %add3A_253 : i32
        %swap3A_261 = arith.index_cast %add3A_260 : i32 to index
        %swap3A_262 = tpu.vector_load %arg7[%swap3A_261] {strides = array<i32>} : memref<8192xf32, #tpu.memory_space<vmem>>, vector<16xf32>,
        tpu.vector_store %arg7[%swap3A_261], %gather3A_258 {strides = array<i32>} : memref<8192xf32, #tpu.memory_space<vmem>>, vector<16xf32>,
        %mul3A_263 = arith.constant 256 : i32
        %mul3A_264 = arith.muli %scan3A_200, %mul3A_263 : i32
        %add3A_265 = arith.constant 80 : i32
        %add3A_266 = arith.addi %mul3A_264, %add3A_265 : i32
        %add3A_267 = arith.constant 12288 : i32
        %add3A_268 = arith.addi %add3A_267, %add3A_266 : i32
        %get3A_269 = arith.index_cast %add3A_268 : i32 to index
        %get3A_270 = tpu.vector_load %arg6[%get3A_269] {strides = array<i32>} : memref<16384xi32, #tpu.memory_space<vmem>>, vector<16xi32>,
        %gather3A_271 = tpu.vector_load_idx %arg5[%get3A_270] : memref<100000xf32, #tpu.memory_space<vmem>>[vector<16xi32>], vector<16xf32>,
        %add3A_272 = arith.constant 4096 : i32
        %add3A_273 = arith.addi %add3A_272, %add3A_266 : i32
        %swap3A_274 = arith.index_cast %add3A_273 : i32 to index
        %swap3A_275 = tpu.vector_load %arg7[%swap3A_274] {strides = array<i32>} : memref<8192xf32, #tpu.memory_space<vmem>>, vector<16xf32>,
        tpu.vector_store %arg7[%swap3A_274], %gather3A_271 {strides = array<i32>} : memref<8192xf32, #tpu.memory_space<vmem>>, vector<16xf32>,
        %mul3A_276 = arith.constant 256 : i32
        %mul3A_277 = arith.muli %scan3A_200, %mul3A_276 : i32
        %add3A_278 = arith.constant 96 : i32
        %add3A_279 = arith.addi %mul3A_277, %add3A_278 : i32
        %add3A_280 = arith.constant 12288 : i32
        %add3A_281 = arith.addi %add3A_280, %add3A_279 : i32
        %get3A_282 = arith.index_cast %add3A_281 : i32 to index
        %get3A_283 = tpu.vector_load %arg6[%get3A_282] {strides = array<i32>} : memref<16384xi32, #tpu.memory_space<vmem>>, vector<16xi32>,
        %gather3A_284 = tpu.vector_load_idx %arg5[%get3A_283] : memref<100000xf32, #tpu.memory_space<vmem>>[vector<16xi32>], vector<16xf32>,
        %add3A_285 = arith.constant 4096 : i32
        %add3A_286 = arith.addi %add3A_285, %add3A_279 : i32
        %swap3A_287 = arith.index_cast %add3A_286 : i32 to index
        %swap3A_288 = tpu.vector_load %arg7[%swap3A_287] {strides = array<i32>} : memref<8192xf32, #tpu.memory_space<vmem>>, vector<16xf32>,
        tpu.vector_store %arg7[%swap3A_287], %gather3A_284 {strides = array<i32>} : memref<8192xf32, #tpu.memory_space<vmem>>, vector<16xf32>,
        %mul3A_289 = arith.constant 256 : i32
        %mul3A_290 = arith.muli %scan3A_200, %mul3A_289 : i32
        %add3A_291 = arith.constant 112 : i32
        %add3A_292 = arith.addi %mul3A_290, %add3A_291 : i32
        %add3A_293 = arith.constant 12288 : i32
        %add3A_294 = arith.addi %add3A_293, %add3A_292 : i32
        %get3A_295 = arith.index_cast %add3A_294 : i32 to index
        %get3A_296 = tpu.vector_load %arg6[%get3A_295] {strides = array<i32>} : memref<16384xi32, #tpu.memory_space<vmem>>, vector<16xi32>,
        %gather3A_297 = tpu.vector_load_idx %arg5[%get3A_296] : memref<100000xf32, #tpu.memory_space<vmem>>[vector<16xi32>], vector<16xf32>,
        %add3A_298 = arith.constant 4096 : i32
        %add3A_299 = arith.addi %add3A_298, %add3A_292 : i32
        %swap3A_300 = arith.index_cast %add3A_299 : i32 to index
        %swap3A_301 = tpu.vector_load %arg7[%swap3A_300] {strides = array<i32>} : memref<8192xf32, #tpu.memory_space<vmem>>, vector<16xf32>,
        tpu.vector_store %arg7[%swap3A_300], %gather3A_297 {strides = array<i32>} : memref<8192xf32, #tpu.memory_space<vmem>>, vector<16xf32>,
        %mul3A_302 = arith.constant 256 : i32
        %mul3A_303 = arith.muli %scan3A_200, %mul3A_302 : i32
        %add3A_304 = arith.constant 128 : i32
        %add3A_305 = arith.addi %mul3A_303, %add3A_304 : i32
        %add3A_306 = arith.constant 12288 : i32
        %add3A_307 = arith.addi %add3A_306, %add3A_305 : i32
        %get3A_308 = arith.index_cast %add3A_307 : i32 to index
        %get3A_309 = tpu.vector_load %arg6[%get3A_308] {strides = array<i32>} : memref<16384xi32, #tpu.memory_space<vmem>>, vector<16xi32>,
        %gather3A_310 = tpu.vector_load_idx %arg5[%get3A_309] : memref<100000xf32, #tpu.memory_space<vmem>>[vector<16xi32>], vector<16xf32>,
        %add3A_311 = arith.constant 4096 : i32
        %add3A_312 = arith.addi %add3A_311, %add3A_305 : i32
        %swap3A_313 = arith.index_cast %add3A_312 : i32 to index
        %swap3A_314 = tpu.vector_load %arg7[%swap3A_313] {strides = array<i32>} : memref<8192xf32, #tpu.memory_space<vmem>>, vector<16xf32>,
        tpu.vector_store %arg7[%swap3A_313], %gather3A_310 {strides = array<i32>} : memref<8192xf32, #tpu.memory_space<vmem>>, vector<16xf32>,
        %mul3A_315 = arith.constant 256 : i32
        %mul3A_316 = arith.muli %scan3A_200, %mul3A_315 : i32
        %add3A_317 = arith.constant 144 : i32
        %add3A_318 = arith.addi %mul3A_316, %add3A_317 : i32
        %add3A_319 = arith.constant 12288 : i32
        %add3A_320 = arith.addi %add3A_319, %add3A_318 : i32
        %get3A_321 = arith.index_cast %add3A_320 : i32 to index
        %get3A_322 = tpu.vector_load %arg6[%get3A_321] {strides = array<i32>} : memref<16384xi32, #tpu.memory_space<vmem>>, vector<16xi32>,
        %gather3A_323 = tpu.vector_load_idx %arg5[%get3A_322] : memref<100000xf32, #tpu.memory_space<vmem>>[vector<16xi32>], vector<16xf32>,
        %add3A_324 = arith.constant 4096 : i32
        %add3A_325 = arith.addi %add3A_324, %add3A_318 : i32
        %swap3A_326 = arith.index_cast %add3A_325 : i32 to index
        %swap3A_327 = tpu.vector_load %arg7[%swap3A_326] {strides = array<i32>} : memref<8192xf32, #tpu.memory_space<vmem>>, vector<16xf32>,
        tpu.vector_store %arg7[%swap3A_326], %gather3A_323 {strides = array<i32>} : memref<8192xf32, #tpu.memory_space<vmem>>, vector<16xf32>,
        %mul3A_328 = arith.constant 256 : i32
        %mul3A_329 = arith.muli %scan3A_200, %mul3A_328 : i32
        %add3A_330 = arith.constant 160 : i32
        %add3A_331 = arith.addi %mul3A_329, %add3A_330 : i32
        %add3A_332 = arith.constant 12288 : i32
        %add3A_333 = arith.addi %add3A_332, %add3A_331 : i32
        %get3A_334 = arith.index_cast %add3A_333 : i32 to index
        %get3A_335 = tpu.vector_load %arg6[%get3A_334] {strides = array<i32>} : memref<16384xi32, #tpu.memory_space<vmem>>, vector<16xi32>,
        %gather3A_336 = tpu.vector_load_idx %arg5[%get3A_335] : memref<100000xf32, #tpu.memory_space<vmem>>[vector<16xi32>], vector<16xf32>,
        %add3A_337 = arith.constant 4096 : i32
        %add3A_338 = arith.addi %add3A_337, %add3A_331 : i32
        %swap3A_339 = arith.index_cast %add3A_338 : i32 to index
        %swap3A_340 = tpu.vector_load %arg7[%swap3A_339] {strides = array<i32>} : memref<8192xf32, #tpu.memory_space<vmem>>, vector<16xf32>,
        tpu.vector_store %arg7[%swap3A_339], %gather3A_336 {strides = array<i32>} : memref<8192xf32, #tpu.memory_space<vmem>>, vector<16xf32>,
        %mul3A_341 = arith.constant 256 : i32
        %mul3A_342 = arith.muli %scan3A_200, %mul3A_341 : i32
        %add3A_343 = arith.constant 176 : i32
        %add3A_344 = arith.addi %mul3A_342, %add3A_343 : i32
        %add3A_345 = arith.constant 12288 : i32
        %add3A_346 = arith.addi %add3A_345, %add3A_344 : i32
        %get3A_347 = arith.index_cast %add3A_346 : i32 to index
        %get3A_348 = tpu.vector_load %arg6[%get3A_347] {strides = array<i32>} : memref<16384xi32, #tpu.memory_space<vmem>>, vector<16xi32>,
        %gather3A_349 = tpu.vector_load_idx %arg5[%get3A_348] : memref<100000xf32, #tpu.memory_space<vmem>>[vector<16xi32>], vector<16xf32>,
        %add3A_350 = arith.constant 4096 : i32
        %add3A_351 = arith.addi %add3A_350, %add3A_344 : i32
        %swap3A_352 = arith.index_cast %add3A_351 : i32 to index
        %swap3A_353 = tpu.vector_load %arg7[%swap3A_352] {strides = array<i32>} : memref<8192xf32, #tpu.memory_space<vmem>>, vector<16xf32>,
        tpu.vector_store %arg7[%swap3A_352], %gather3A_349 {strides = array<i32>} : memref<8192xf32, #tpu.memory_space<vmem>>, vector<16xf32>,
        %mul3A_354 = arith.constant 256 : i32
        %mul3A_355 = arith.muli %scan3A_200, %mul3A_354 : i32
        %add3A_356 = arith.constant 192 : i32
        %add3A_357 = arith.addi %mul3A_355, %add3A_356 : i32
        %add3A_358 = arith.constant 12288 : i32
        %add3A_359 = arith.addi %add3A_358, %add3A_357 : i32
        %get3A_360 = arith.index_cast %add3A_359 : i32 to index
        %get3A_361 = tpu.vector_load %arg6[%get3A_360] {strides = array<i32>} : memref<16384xi32, #tpu.memory_space<vmem>>, vector<16xi32>,
        %gather3A_362 = tpu.vector_load_idx %arg5[%get3A_361] : memref<100000xf32, #tpu.memory_space<vmem>>[vector<16xi32>], vector<16xf32>,
        %add3A_363 = arith.constant 4096 : i32
        %add3A_364 = arith.addi %add3A_363, %add3A_357 : i32
        %swap3A_365 = arith.index_cast %add3A_364 : i32 to index
        %swap3A_366 = tpu.vector_load %arg7[%swap3A_365] {strides = array<i32>} : memref<8192xf32, #tpu.memory_space<vmem>>, vector<16xf32>,
        tpu.vector_store %arg7[%swap3A_365], %gather3A_362 {strides = array<i32>} : memref<8192xf32, #tpu.memory_space<vmem>>, vector<16xf32>,
        %mul3A_367 = arith.constant 256 : i32
        %mul3A_368 = arith.muli %scan3A_200, %mul3A_367 : i32
        %add3A_369 = arith.constant 208 : i32
        %add3A_370 = arith.addi %mul3A_368, %add3A_369 : i32
        %add3A_371 = arith.constant 12288 : i32
        %add3A_372 = arith.addi %add3A_371, %add3A_370 : i32
        %get3A_373 = arith.index_cast %add3A_372 : i32 to index
        %get3A_374 = tpu.vector_load %arg6[%get3A_373] {strides = array<i32>} : memref<16384xi32, #tpu.memory_space<vmem>>, vector<16xi32>,
        %gather3A_375 = tpu.vector_load_idx %arg5[%get3A_374] : memref<100000xf32, #tpu.memory_space<vmem>>[vector<16xi32>], vector<16xf32>,
        %add3A_376 = arith.constant 4096 : i32
        %add3A_377 = arith.addi %add3A_376, %add3A_370 : i32
        %swap3A_378 = arith.index_cast %add3A_377 : i32 to index
        %swap3A_379 = tpu.vector_load %arg7[%swap3A_378] {strides = array<i32>} : memref<8192xf32, #tpu.memory_space<vmem>>, vector<16xf32>,
        tpu.vector_store %arg7[%swap3A_378], %gather3A_375 {strides = array<i32>} : memref<8192xf32, #tpu.memory_space<vmem>>, vector<16xf32>,
        %mul3A_380 = arith.constant 256 : i32
        %mul3A_381 = arith.muli %scan3A_200, %mul3A_380 : i32
        %add3A_382 = arith.constant 224 : i32
        %add3A_383 = arith.addi %mul3A_381, %add3A_382 : i32
        %add3A_384 = arith.constant 12288 : i32
        %add3A_385 = arith.addi %add3A_384, %add3A_383 : i32
        %get3A_386 = arith.index_cast %add3A_385 : i32 to index
        %get3A_387 = tpu.vector_load %arg6[%get3A_386] {strides = array<i32>} : memref<16384xi32, #tpu.memory_space<vmem>>, vector<16xi32>,
        %gather3A_388 = tpu.vector_load_idx %arg5[%get3A_387] : memref<100000xf32, #tpu.memory_space<vmem>>[vector<16xi32>], vector<16xf32>,
        %add3A_389 = arith.constant 4096 : i32
        %add3A_390 = arith.addi %add3A_389, %add3A_383 : i32
        %swap3A_391 = arith.index_cast %add3A_390 : i32 to index
        %swap3A_392 = tpu.vector_load %arg7[%swap3A_391] {strides = array<i32>} : memref<8192xf32, #tpu.memory_space<vmem>>, vector<16xf32>,
        tpu.vector_store %arg7[%swap3A_391], %gather3A_388 {strides = array<i32>} : memref<8192xf32, #tpu.memory_space<vmem>>, vector<16xf32>,
        %mul3A_393 = arith.constant 256 : i32
        %mul3A_394 = arith.muli %scan3A_200, %mul3A_393 : i32
        %add3A_395 = arith.constant 240 : i32
        %add3A_396 = arith.addi %mul3A_394, %add3A_395 : i32
        %add3A_397 = arith.constant 12288 : i32
        %add3A_398 = arith.addi %add3A_397, %add3A_396 : i32
        %get3A_399 = arith.index_cast %add3A_398 : i32 to index
        %get3A_400 = tpu.vector_load %arg6[%get3A_399] {strides = array<i32>} : memref<16384xi32, #tpu.memory_space<vmem>>, vector<16xi32>,
        %gather3A_401 = tpu.vector_load_idx %arg5[%get3A_400] : memref<100000xf32, #tpu.memory_space<vmem>>[vector<16xi32>], vector<16xf32>,
        %add3A_402 = arith.constant 4096 : i32
        %add3A_403 = arith.addi %add3A_402, %add3A_396 : i32
        %swap3A_404 = arith.index_cast %add3A_403 : i32 to index
        %swap3A_405 = tpu.vector_load %arg7[%swap3A_404] {strides = array<i32>} : memref<8192xf32, #tpu.memory_space<vmem>>, vector<16xf32>,
        tpu.vector_store %arg7[%swap3A_404], %gather3A_401 {strides = array<i32>} : memref<8192xf32, #tpu.memory_space<vmem>>, vector<16xf32>,
      }
      %scan3A_189 = arith.constant 16 : i32
      %dma_start3A_190 = arith.constant 4096 : i32
      %dma_start3A_191 = tpu.memref_slice %arg7[%dma_start3A_190] : memref<8192xf32, #tpu.memory_space<vmem>> -> memref<4096xf32, #tpu.memory_space<vmem>>
      %dma_start3A_192 = arith.constant 12288 : i32
      %dma_start3A_193 = tpu.memref_slice %arg4[%select_n3A_86, %select_n3A_102, %dma_start3A_192] : memref<26x16x16384xf32, #tpu.memory_space<hbm>> -> memref<1x1x4096xf32, #tpu.memory_space<hbm>>
      %dma_start3A_194 = tpu.memref_squeeze %dma_start3A_193 : memref<1x1x4096xf32, #tpu.memory_space<hbm>> -> memref<4096xf32, #tpu.memory_space<hbm>>
      %dma_start3A_195 = arith.constant 12288 : i32
      %dma_start3A_196 = tpu.memref_slice %arg4[%select_n3A_86, %select_n3A_102, %dma_start3A_195] : memref<26x16x16384xf32, #tpu.memory_space<hbm>> -> memref<1x1x4096xf32, #tpu.memory_space<hbm>>
      %dma_start3A_197 = tpu.memref_squeeze %dma_start3A_196 : memref<1x1x4096xf32, #tpu.memory_space<hbm>> -> memref<4096xf32, #tpu.memory_space<hbm>>
      %dma_start3A_198 = arith.constant 4096 : i32
      %dma_start3A_199 = tpu.memref_slice %arg7[%dma_start3A_198] : memref<8192xf32, #tpu.memory_space<vmem>> -> memref<4096xf32, #tpu.memory_space<vmem>>
      tpu.enqueue_dma source(%dma_start3A_199 : memref<4096xf32, #tpu.memory_space<vmem>>) target(%dma_start3A_197 : memref<4096xf32, #tpu.memory_space<hbm>>) target_semaphore(%arg9 : memref<!tpu.dma_semaphore, #tpu.memory_space<semaphore_mem>>)
    }
    %scan3A_7 = arith.constant 13 : i32
    %add3A_8 = arith.constant 13 : i32
    %add3A_9 = arith.addi %mul3A_2, %add3A_8 : i32
    %sub3A = arith.constant 1 : i32
    %sub3A_10 = arith.subi %add3A_9, %sub3A : i32
    %jit3A = arith.constant 16 : i32
    %div3A = arith.divsi %sub3A_10, %jit3A : i32
    %sign3A = arith.constant 0 : i32
    %sign3A_11 = arith.cmpi sgt, %sub3A_10, %sign3A : i32
    %sign3A_12 = arith.extui %sign3A_11 : i1 to i32
    %sign3A_13 = arith.constant 0 : i32
    %sign3A_14 = arith.cmpi slt, %sub3A_10, %sign3A_13 : i32
    %sign3A_15 = arith.extui %sign3A_14 : i1 to i32
    %sign3A_16 = arith.subi %sign3A_12, %sign3A_15 : i32
    %sign3A_17 = arith.constant 0 : i32
    %sign3A_18 = arith.cmpi sgt, %jit3A, %sign3A_17 : i32
    %sign3A_19 = arith.extui %sign3A_18 : i1 to i32
    %sign3A_20 = arith.constant 0 : i32
    %sign3A_21 = arith.cmpi slt, %jit3A, %sign3A_20 : i32
    %sign3A_22 = arith.extui %sign3A_21 : i1 to i32
    %sign3A_23 = arith.subi %sign3A_19, %sign3A_22 : i32
    %ne3A = arith.cmpi ne, %sign3A_16, %sign3A_23 : i32
    %rem3A = arith.remsi %sub3A_10, %jit3A : i32
    %ne3A_24 = arith.constant 0 : i32
    %ne3A_25 = arith.cmpi ne, %rem3A, %ne3A_24 : i32
    %and3A = arith.andi %ne3A, %ne3A_25 : i1
    %sub3A_26 = arith.constant 1 : i32
    %sub3A_27 = arith.subi %div3A, %sub3A_26 : i32
    %select_n3A = arith.select %and3A, %sub3A_27, %div3A : i32
    %jit3A_28 = arith.constant 16 : i32
    %eq3A = arith.constant 0 : i32
    %eq3A_29 = arith.cmpi eq, %jit3A_28, %eq3A : i32
    %jit3A_30 = arith.constant 1 : i32
    %select_n3A_31 = arith.select %eq3A_29, %jit3A_30, %jit3A_28 : i32
    %rem3A_32 = arith.remsi %sub3A_10, %select_n3A_31 : i32
    %ne3A_33 = arith.constant 0 : i32
    %ne3A_34 = arith.cmpi ne, %rem3A_32, %ne3A_33 : i32
    %lt3A = arith.constant 0 : i32
    %lt3A_35 = arith.cmpi slt, %rem3A_32, %lt3A : i32
    %lt3A_36 = arith.constant 0 : i32
    %lt3A_37 = arith.cmpi slt, %select_n3A_31, %lt3A_36 : i32
    %ne3A_38 = arith.xori %lt3A_35, %lt3A_37 : i1
    %and3A_39 = arith.andi %ne3A_38, %ne3A_34 : i1
    %add3A_40 = arith.addi %rem3A_32, %select_n3A_31 : i32
    %select_n3A_41 = arith.select %and3A_39, %add3A_40, %rem3A_32 : i32
    %dma_wait3A = arith.constant 0 : i32
    %dma_wait3A_42 = tpu.memref_slice %arg7[%dma_wait3A] : memref<8192xf32, #tpu.memory_space<vmem>> -> memref<4096xf32, #tpu.memory_space<vmem>>
    %dma_wait3A_43 = arith.constant 8192 : i32
    %dma_wait3A_44 = tpu.memref_slice %arg4[%select_n3A, %select_n3A_41, %dma_wait3A_43] : memref<26x16x16384xf32, #tpu.memory_space<hbm>> -> memref<1x1x4096xf32, #tpu.memory_space<hbm>>
    %dma_wait3A_45 = tpu.memref_squeeze %dma_wait3A_44 : memref<1x1x4096xf32, #tpu.memory_space<hbm>> -> memref<4096xf32, #tpu.memory_space<hbm>>
    %dma_wait3A_46 = arith.constant 0 : i32
    %dma_wait3A_47 = tpu.memref_slice %arg7[%dma_wait3A_46] : memref<8192xf32, #tpu.memory_space<vmem>> -> memref<4096xf32, #tpu.memory_space<vmem>>
    %dma_wait3A_48 = arith.constant 8192 : i32
    %dma_wait3A_49 = tpu.memref_slice %arg4[%select_n3A, %select_n3A_41, %dma_wait3A_48] : memref<26x16x16384xf32, #tpu.memory_space<hbm>> -> memref<1x1x4096xf32, #tpu.memory_space<hbm>>
    %dma_wait3A_50 = tpu.memref_squeeze %dma_wait3A_49 : memref<1x1x4096xf32, #tpu.memory_space<hbm>> -> memref<4096xf32, #tpu.memory_space<hbm>>
    tpu.wait_dma2 semaphore(%arg8 : memref<!tpu.dma_semaphore, #tpu.memory_space<semaphore_mem>>) src(%dma_wait3A_50 : memref<4096xf32, #tpu.memory_space<hbm>>) dst(%dma_wait3A_47 : memref<4096xf32, #tpu.memory_space<vmem>>)
    %dma_wait3A_51 = arith.constant 4096 : i32
    %dma_wait3A_52 = tpu.memref_slice %arg7[%dma_wait3A_51] : memref<8192xf32, #tpu.memory_space<vmem>> -> memref<4096xf32, #tpu.memory_space<vmem>>
    %dma_wait3A_53 = arith.constant 12288 : i32
    %dma_wait3A_54 = tpu.memref_slice %arg4[%select_n3A, %select_n3A_41, %dma_wait3A_53] : memref<26x16x16384xf32, #tpu.memory_space<hbm>> -> memref<1x1x4096xf32, #tpu.memory_space<hbm>>
    %dma_wait3A_55 = tpu.memref_squeeze %dma_wait3A_54 : memref<1x1x4096xf32, #tpu.memory_space<hbm>> -> memref<4096xf32, #tpu.memory_space<hbm>>
    %dma_wait3A_56 = arith.constant 4096 : i32
    %dma_wait3A_57 = tpu.memref_slice %arg7[%dma_wait3A_56] : memref<8192xf32, #tpu.memory_space<vmem>> -> memref<4096xf32, #tpu.memory_space<vmem>>
    %dma_wait3A_58 = arith.constant 12288 : i32
    %dma_wait3A_59 = tpu.memref_slice %arg4[%select_n3A, %select_n3A_41, %dma_wait3A_58] : memref<26x16x16384xf32, #tpu.memory_space<hbm>> -> memref<1x1x4096xf32, #tpu.memory_space<hbm>>
    %dma_wait3A_60 = tpu.memref_squeeze %dma_wait3A_59 : memref<1x1x4096xf32, #tpu.memory_space<hbm>> -> memref<4096xf32, #tpu.memory_space<hbm>>
    tpu.wait_dma2 semaphore(%arg9 : memref<!tpu.dma_semaphore, #tpu.memory_space<semaphore_mem>>) src(%dma_wait3A_60 : memref<4096xf32, #tpu.memory_space<hbm>>) dst(%dma_wait3A_57 : memref<4096xf32, #tpu.memory_space<vmem>>)
    return
  }
}

</mosaic_0001>

<sc_bundles>
// kernel: kernel.3.cloned.1.call-start
scs
__scs_entry_jumppad:
0x0: {  	(pc) =	sbr.rel $0x88, $3  }
0x1: {  	(tag) =	ssettag $0x0;
	lr =	simm.s32 $0x1  }
0x2: {  	[smem:$0x3F9F] =	sst lr;
	_ =	strace $0xD0000000  }
0x3: {  	_ = 	snop  }
0x4: {  	_ = 	snop  }
0x5: {  	_ = 	snop  }
0x6: {  	_ = 	snop  }
0x7: {  	_ = 	snop  }
__scs_overlays_trampoline_lowered:
0x8: {  	[smem:$0x3FAE] =	sst s0  }
0x9: {  	[smem:$0x3FAF] =	sst s1  }
0xa: {  	[smem:$0x3FB0] =	sst s2  }
0xb: {  	[smem:$0x3FB1] =	sst s3  }
0xc: {  	[smem:$0x3FB2] =	sst s4  }
0xd: {  	[smem:$0x3FB3] =	sst s5  }
0xe: {  	[smem:$0x3FB4] =	sst s6  }
0xf: {  	[smem:$0x3FB5] =	sst s7  }
0x10: {  	[smem:$0x3FB6] =	sst s8  }
0x11: {  	[smem:$0x3FB7] =	sst s9;
	s0 =	simm.s32 @!p0 $0x0  }
0x12: {  	s1 =	sld [smem:$0x3F9D];
	s0 =	simm.s32 @p0 $0x1  }
0x13: {  	[smem:$0x3FB8] =	sst s0;
	s0 =	simm.s32 @!p1 $0x0  }
0x14: {  	s2 =	sld [smem:$0x3F9C];
	s0 =	simm.s32 @p1 $0x1  }
0x15: {  	[smem:$0x3FB9] =	sst s0;
	s0 =	simm.s32 @!p2 $0x0  }
0x16: {  	s3 =	sld [smem:$0x3FDB];
	s0 =	simm.s32 @p2 $0x1  }
0x17: {  	s4 =	simm.s32 $0x1BF5;
	[smem:$0x3FBB] =	sst s0  }
0x18: {  	s0 =	sld [smem:$0x3F9E];
	_ =	swait.ge [sflag:s4], $0x0  }
0x19: {  	s7 =	sld [smem:$0x3F9F]  }
0x1a: {  	s8 =	sadd.s32 $0xFFFFE003, lr  }
0x1b: {  	s9 =	sadd.s32 $0xFFFFFEF7, lr;
	s5 =	simm.s32 $0xFFFFFFFF;
	p2 =	slt.u32 s8, $0xFFFFF086  }
0x1c: {  	p1 =	slt.u32 s9, $0xF7A;
	s5 =	simm.s32 @!p2 $0x0  }
0x1d: {  	s5 =	simm.s32 @p1 $0x1;
	p0 =	seq.s32 s7, s2  }
0x1e: {  	s7 =	smul.u32 @!p0 $0xF7A, s2;
	p2 =	seq.s32 @!p0 s5, $0x0  }
0x1f: {  	s9 =	smul.u32 $0xF7A, s1;
	s8 =	simm.s32 @!p0 $0x1BF5;
	p2 =	por !p2, p0  }
0x20: {  	[sflag:s8] =	ssyncset.s32 @!p0 $0xFFFFF086;
	s6 =	sadd.s32 @!p0 s3, s7;
	s7 =	simm.s32 @!p0 $0x108  }
0x21: {  	s3 =	sadd.s32 s3, s9;
	s6 =	sadd.s32 @!p0 $0x88, s6;
	s7 =	simm.s32 @p2 $0x1082  }
0x22: {  	[simem:s7], [sflag:s8] =	dma.local @!p0 [hbm:s6], $0xF7A  }
0x23: {  	s9 =	sor.u32 $0xD0000000, s2;
	s6 =	simm.s32 $0x108;
	_ =	swait.ge @!p0 [sflag:s8], $0x0  }
0x24: {  	s3 =	sadd.s32 $0x88, s3;
	s6 =	simm.s32 @!p1 $0x1082;
	[sflag:s4] =	ssyncset.s32 $0xFFFFF086  }
0x25: {  	[simem:s6], [sflag:s4] =	dma.local [hbm:s3], $0xF7A  }
0x26: {  	[smem:$0x3F9F] =	sst s1;
	(tag) =	ssettag s2;
	_ =	strace s9  }
0x27: {  	s1 =	sld [smem:$0x3FAF]  }
0x28: {  	s2 =	sld [smem:$0x3FB0]  }
0x29: {  	s4 =	sld [smem:$0x3FB2]  }
0x2a: {  	p0 =	seq.s32 s5, $0x0;
	s5 =	sld [smem:$0x3FB3]  }
0x2b: {  	s6 =	sld [smem:$0x3FB4]  }
0x2c: {  	s7 =	sld [smem:$0x3FB5]  }
0x2d: {  	s3 =	simm.s32 $0x108;
	s8 =	sld [smem:$0x3FB6]  }
0x2e: {  	s3 =	simm.s32 @!p0 $0x1082;
	s9 =	sld [smem:$0x3FB7]  }
0x2f: {  	lr =	sadd.s32 s0, s3;
	s0 =	sld [smem:$0x3FAE]  }
0x30: {  	s3 =	sld [smem:$0x3FB1]  }
0x31: {  	[smem:$0x3FBA] =	sst s10  }
0x32: {  	s10 =	sld [smem:$0x3FB8];
	_ =	sdelay $0x3  }
0x33: {  	p0 =	seq.s32 s10, $0x1;
	s10 =	sld [smem:$0x3FBA];
	_ =	sdelay $0x3  }
0x34: {  	[smem:$0x3FBA] =	sst s10  }
0x35: {  	s10 =	sld [smem:$0x3FB9];
	_ =	sdelay $0x3  }
0x36: {  	p1 =	seq.s32 s10, $0x1;
	s10 =	sld [smem:$0x3FBA];
	_ =	sdelay $0x3  }
0x37: {  	[smem:$0x3FBA] =	sst s10  }
0x38: {  	s10 =	sld [smem:$0x3FBB]  }
0x39: {  	_ = 	snop;
	(pc) =	sbr.ind lr, $3  }
0x3a: {  	_ = 	snop  }
0x3b: {  	_ = 	snop  }
0x3c: {  	p2 =	seq.s32 s10, $0x1;
	s10 =	sld [smem:$0x3FBA]  }
0x3d: {  	_ =	shalt  }
0x3e: {  	_ =	shalt  }
0x3f: {  	_ =	shalt  }
0x40: {  	_ =	shalt  }
0x41: {  	_ =	shalt  }
0x42: {  	_ =	shalt  }
0x43: {  	_ =	shalt  }
0x44: {  	_ =	shalt  }
0x45: {  	_ =	shalt  }
0x46: {  	_ =	shalt  }
0x47: {  	_ =	shalt  }
0x48: {  	_ =	shalt  }
0x49: {  	_ =	shalt  }
0x4a: {  	_ =	shalt  }
0x4b: {  	_ =	shalt  }
0x4c: {  	_ =	shalt  }
0x4d: {  	_ =	shalt  }
0x4e: {  	_ =	shalt  }
0x4f: {  	_ =	shalt  }
0x50: {  	_ =	shalt  }
0x51: {  	_ =	shalt  }
0x52: {  	_ =	shalt  }
0x53: {  	_ =	shalt  }
0x54: {  	_ =	shalt  }
0x55: {  	_ =	shalt  }
0x56: {  	_ =	shalt  }
0x57: {  	_ =	shalt  }
0x58: {  	_ =	shalt  }
0x59: {  	_ =	shalt  }
0x5a: {  	_ =	shalt  }
0x5b: {  	_ =	shalt  }
0x5c: {  	_ =	shalt  }
0x5d: {  	_ =	shalt  }
0x5e: {  	_ =	shalt  }
0x5f: {  	_ =	shalt  }
0x60: {  	_ =	shalt  }
0x61: {  	_ =	shalt  }
0x62: {  	_ =	shalt  }
0x63: {  	_ =	shalt  }
0x64: {  	_ =	shalt  }
0x65: {  	_ =	shalt  }
0x66: {  	_ =	shalt  }
0x67: {  	_ =	shalt  }
0x68: {  	_ =	shalt  }
0x69: {  	_ =	shalt  }
0x6a: {  	_ =	shalt  }
0x6b: {  	_ =	shalt  }
0x6c: {  	_ =	shalt  }
0x6d: {  	_ =	shalt  }
0x6e: {  	_ =	shalt  }
0x6f: {  	_ =	shalt  }
0x70: {  	_ =	shalt  }
0x71: {  	_ =	shalt  }
0x72: {  	_ =	shalt  }
0x73: {  	_ =	shalt  }
0x74: {  	_ =	shalt  }
0x75: {  	_ =	shalt  }
0x76: {  	_ =	shalt  }
0x77: {  	_ =	shalt  }
0x78: {  	_ =	shalt  }
0x79: {  	_ =	shalt  }
0x7a: {  	_ =	shalt  }
0x7b: {  	_ =	shalt  }
0x7c: {  	_ =	shalt  }
0x7d: {  	_ =	shalt  }
0x7e: {  	_ =	shalt  }
0x7f: {  	_ =	shalt  }
0x80: {  	_ =	shalt  }
0x81: {  	_ =	shalt  }
0x82: {  	_ =	shalt  }
0x83: {  	_ =	shalt  }
0x84: {  	_ =	shalt  }
0x85: {  	_ =	shalt  }
0x86: {  	_ =	shalt  }
0x87: {  	_ =	shalt  }
.Lfunc_end0:
.L_simem_size_0:
called_computation_lowered:
.L_overlay_start_0:
0x88: {  	s2 =	sld [smem:$0x3FD9]  }
0x89: {  	s3 =	sld [smem:$0x3FFE];
	_ =	sdelay $0x1  }
0x8a: {  	s1 =	srdreg.scid  }
0x8b: {  	s0 =	sand.u32 $0x1, s1  }
0x8c: {  	s18 =	sshll.u32 s0, $0xA;
	s2 =	sadd.s32 s3, s2  }
0x8d: {  	s2 =	sadd.s32 s2, s18  }
0x8e: {  	[smem:$0x3FC6] =	sst s2  }
0x8f: {  	_ = 	snop  }
0x90: {  	s2 =	sld [smem:$0x3FC9]  }
0x91: {  	s19 =	sld [smem:$0x3FC8]  }
0x92: {  	s4 =	sld [smem:$0x3FD0];
	(tm) =	ssettm $0x1  }
0x93: {  	s5 =	sld [smem:$0x3FFB];
	_ =	sdelay $0x3  }
0x94: {  	_ =	strace s5  }
0x95: {  	s5 =	sld [smem:$0x3FFC];
	_ =	sdelay $0x3  }
0x96: {  	_ =	strace s5  }
0x97: {  	s5 =	sld [smem:$0x3FFD];
	_ =	sdelay $0x3  }
0x98: {  	_ =	strace s5  }
0x99: {  	_ =	strace $0x8FFFFFFF  }
0x9a: {  	s20 =	sld [smem:$0x3FDB];
	_ =	sdelay $0x1  }
0x9b: {  	s6 =	simm.s32 $_scs_section_size  }
0x9c: {  	s7 =	simm.s32 $_size__tile_overlayer_lowered;
	s8 =	simm.s32 $_tile_overlayer_lowered  }
0x9d: {  	s23 =	simm.s32 $0x1BFF;
	s22 =	sshll.u32 s8, $0x1;
	s5 =	sadd.s32 s6, s20  }
0x9e: {  	s9 =	simm.s32 $0x0;
	s21 =	sshll.u32 s7, $0x1;
	s7 =	sadd.s32 s22, s5  }
0x9f: {  	[timem:s9], [sflag:s23] =	dma.local [hbm:s7], s21  }
0xa0: {  	_ =	swait.ge [sflag:s23], s21  }
0xa1: {  	s6 =	ssub.s32 $0x0, s21;
	[sflag:s23] =	ssyncset.done $0x0  }
0xa2: {  	[sflag:s23] =	ssyncadd.s32 s6;
	_ =	sdelay $0x1  }
0xa3: {  	s24 =	simm.s32 $0x1B8B  }
0xa4: {  	_ =	swait.ge [sflag:s24], $0x1  }
0xa5: {  	[sflag:s24] =	ssyncset.done $0x0  }
0xa6: {  	s25 =	simm.s32 $0x1B8E;
	[sflag:s24] =	ssyncadd.s32 $0xFFFFFFFF  }
0xa7: {  	s26 =	simm.s32 $execute0_lowered;
	[smem:$0x3FD2] =	sst s25  }
0xa8: {  	s6 =	sshll.u32 s26, $0x1;
	_ =	strace $0x80000046;
	[dreg:$0x1] =	wrdreg $0xFFFFFFFF  }
0xa9: {  	s28 =	simm.s32 $_size_execute0_lowered;
	s5 =	sadd.s32 s5, s6;
	[dreg:$0x0] =	wrdreg $0x0  }
0xaa: {  	s6 =	sshll.u32 s28, $0x1;
	[dreg:$0x2] =	wrdreg s5  }
0xab: {  	[dreg:$0x3] =	wrdreg s6  }
0xac: {  	[dreg:$0x4] =	wrdreg $0xC0  }
0xad: {  	_ =	task [dreg:s9], $0x5FFFF  }
0xae: {  	[dreg:$0x1] =	wrdreg $0xFFFFFFFF  }
0xaf: {  	[dreg:$0x0] =	wrdreg $0x60  }
0xb0: {  	[dreg:$0x2] =	wrdreg s2  }
0xb1: {  	[dreg:$0x3] =	wrdreg s19  }
0xb2: {  	[dreg:$0x4] =	wrdreg s4  }
0xb3: {  	[dreg:$0x5] =	wrdreg $0x9  }
0xb4: {  	_ =	task.clear_ibuf [dreg:s9], $0x6FFFF;
	_ =	strace $0x90000046  }
0xb5: {  	s29 =	simm.s32 $0x9;
	_ =	strace $0x80000048  }
0xb6: {  	_ =	swait.ge [sflag:s29], $0x1  }
0xb7: {  	[sflag:s29] =	ssyncadd.s32 $0xFFFFFFFF  }
0xb8: {  	_ =	strace $0x90000048  }
0xb9: {  	_ =	sfence  }
0xba: {  	s30 =	sld [smem:$0x0];
	_ =	sdelay $0x2  }
0xbb: {  	s31 =	sshll.u32 s1, $0xD;
	s1 =	sshrl.u32 s1, $0x2  }
0xbc: {  	s3 =	sand.u32 $0x4000, s31;
	s1 =	sadd.s32 s1, s30  }
0xbd: {  	s0 =	sor.u32 s3, s0;
	s1 =	sshll.u32 s1, $0x11  }
0xbe: {  	s0 =	sor.u32 s1, s0  }
0xbf: {  	s0 =	sadd.s32 $0x8F2B, s0  }
0xc0: {  	[sflag:s0] =	ssyncadd.remote.s32 $0x1  }
0xc1: {  	_ =	sfence.sel $0xFFFF  }
0xc2: {  	[dreg:$0x0] =	wrdreg $0xFFFFFFFF;
	(pc) =	sbr.abs _section_cstart, $3  }
0xc3: {  	[dreg:$0x1] =	wrdreg $0xFFFFFFFF  }
0xc4: {  	_ =	task.clear_ibuf [dreg:s9], $0x2FFFF;
	_ =	strace $0x9FFFFFFF  }
0xc5: {  	(tm) =	ssettm $0x7FFFFFFF  }
tec
execute0_lowered:
.L_overlay_start_1:
0x0: {  	(tag) =	ssettag $0x1  }
0x1: {  	s1 =	rddreg [dreg:$0x0]  }
0x2: {  	s2 =	rddreg [dreg:$0x1]  }
0x3: {  	s4 =	rddreg [dreg:$0x2]  }
0x4: {  	s0 =	rddreg [dreg:$0x3];
	s6 =	srdreg.scid  }
0x5: {  	s5 =	simm.s32 $0x0;
	s3 =	stileid.u32;
	s11 =	simm.s32 $0x80  }
0x6: {  	s12 =	simm.s32 $0x400;
	s13 =	simm.s32 $0x18700;
	s14 =	simm.s32 $0x3  }
0x7: {  	s15 =	simm.s32 $0x1C700;
	s16 =	simm.s32 $0x1D700;
	s17 =	simm.s32 $0x1  }
0x8: {  	s18 =	simm.s32 $0x2;
	s19 =	simm.s32 $0x0;
	s6 =	sand.u32 $0x1, s6  }
0x9: {  	[smem:$0x7FF] =	sst s5;
	s8 =	sshll.u32 s3, $0x1;
	s7 =	ssub.s32 $0x2, s6  }
0xa: {  	_ =	strace $0x80000047;
	s6 =	sor.u32 s6, s8;
	s9 =	sshrl.u32 s7, $0x1  }
0xb: {  	s8 =	sadd.s32 $0x2000, s4;
	s6 =	smul.u32 $0xD, s6;
	s10 =	ssub.s32 s7, s9  }
0xc: {  	s7 =	sadd.s32 $0x1000, s4;
	s9 =	sadd.s32 $0x3000, s4;
	s10 =	smax.u32 s10, $0x1  }
.LBB2_1:
0xd: {  	s20 =	simm.s32 $0x0  }
.LBB2_2:
0xe: {  	s22 =	sadd.s32 s6, s20  }
0xf: {  	p0 =	seq.s32 s20, $0x0;
	s23 =	sand.u32 $0xF, s22  }
0x10: {  	p1 =	sne.s32 @!p0 s23, $0x0  }
0x11: {  	s21 =	sshrl.u32 s22, $0x4;
	p1 =	por p0, !p1  }
0x12: {  	s24 =	sshll.u32 @p1 s21, $0xB;
	s22 =	sand.u32 @p1 $0x70, s22  }
0x13: {  	s24 =	sand.u32 @p1 $0xFFFC000, s24;
	s22 =	sadd.s32 @p1 s1, s22  }
0x14: {  	s22 =	sadd.s32 @p1 s24, s22  }
0x15: {  	[tilespmem:s13], [sflag:$0x3] =	stream.strided.gather @p1 [hbm4b:s22+s11], $0x4000, s12, s11, $0x38;
	[tilespmem:$0x1E700] =	vst v63  }
0x16: {  	s31 =	smul.u32 $0x187000, s21;
	s22 =	sshrl.u32 s23, $0x3  }
0x17: {  	s25 =	smul.u32 $0xC3800, s22  }
0x18: {  	s23 =	sshll.u32 s23, $0x7  }
0x19: {  	s23 =	sand.u32 $0x380, s23;
	s24 =	sadd.s32 s31, s25  }
0x1a: {  	_ =	swait.ge @p1 [sflag:s14], $0x4000;
	s24 =	sor.u32 s23, s24  }
0x1b: {  	[sflag:s14] =	ssyncset.done @p1 $0x0;
	s24 =	sshrl.u32 s24, $0x3  }
0x1c: {  	[sflag:s14] =	ssyncadd.s32 @p1 $0xFFFFC000;
	s24 =	sadd.s32 s2, s24  }
0x1d: {  	[tilespmem:s5], [sflag:$0x3] =	stream.strided.gather [hbm4b:s24+s11], $0x18700, s12, s11, $0x38;
	[tilespmem:$0x1E700] =	vst v63  }
0x1e: {  	_ =	swait.ge [sflag:s14], $0x18700  }
0x1f: {  	[sflag:s14] =	ssyncset.done $0x0  }
0x20: {  	s24 =	simm.s32 @!p0 $0x1;
	[sflag:s14] =	ssyncadd.s32 $0xFFFE7900  }
0x21: {  	_ =	swait.ge @!p0 [sflag:s24], $0x1000  }
0x22: {  	[sflag:s24] =	ssyncset.done @!p0 $0x0  }
0x23: {  	[sflag:s24] =	ssyncadd.s32 @!p0 $0xFFFFF000;
	s24 =	simm.s32 $0x0  }
0x24: {  	v0 =	vld [tilespmem:s24+$0x18700];
	_ =	sdelay $0x5  }
0x25: {  	v1 =	vld [tilespmem:s24+$0x18710];
	_ =	sdelay $0x1  }
0x26: {  	v0 =	vld.idx.msk [tilespmem:v0+s5+$0x0], $0xffff;
	_ =	sdelay $0x4  }
0x27: {  	[tilespmem:s24+$0x1C700] =	vst v0;
	v0 =	vld [tilespmem:s24+$0x18720]  }
0x28: {  	v1 =	vld.idx.msk [tilespmem:v1+s5+$0x0], $0xffff;
	_ =	sdelay $0x4  }
0x29: {  	[tilespmem:s24+$0x1C710] =	vst v1;
	v1 =	vld [tilespmem:s24+$0x18730];
	_ =	sdelay $0x1  }
0x2a: {  	v0 =	vld.idx.msk [tilespmem:v0+s5+$0x0], $0xffff;
	_ =	sdelay $0x4  }
0x2b: {  	[tilespmem:s24+$0x1C720] =	vst v0;
	v0 =	vld [tilespmem:s24+$0x18740]  }
0x2c: {  	v1 =	vld.idx.msk [tilespmem:v1+s5+$0x0], $0xffff;
	_ =	sdelay $0x4  }
0x2d: {  	[tilespmem:s24+$0x1C730] =	vst v1;
	v1 =	vld [tilespmem:s24+$0x18750];
	_ =	sdelay $0x1  }
0x2e: {  	v0 =	vld.idx.msk [tilespmem:v0+s5+$0x0], $0xffff;
	_ =	sdelay $0x4  }
0x2f: {  	[tilespmem:s24+$0x1C740] =	vst v0;
	v0 =	vld [tilespmem:s24+$0x18760]  }
0x30: {  	v1 =	vld.idx.msk [tilespmem:v1+s5+$0x0], $0xffff;
	_ =	sdelay $0x4  }
0x31: {  	[tilespmem:s24+$0x1C750] =	vst v1;
	v1 =	vld [tilespmem:s24+$0x18770];
	_ =	sdelay $0x1  }
0x32: {  	v0 =	vld.idx.msk [tilespmem:v0+s5+$0x0], $0xffff;
	_ =	sdelay $0x4  }
0x33: {  	[tilespmem:s24+$0x1C760] =	vst v0;
	v0 =	vld [tilespmem:s24+$0x18780]  }
0x34: {  	v1 =	vld.idx.msk [tilespmem:v1+s5+$0x0], $0xffff;
	_ =	sdelay $0x4  }
0x35: {  	[tilespmem:s24+$0x1C770] =	vst v1;
	v1 =	vld [tilespmem:s24+$0x18790];
	_ =	sdelay $0x1  }
0x36: {  	v0 =	vld.idx.msk [tilespmem:v0+s5+$0x0], $0xffff;
	_ =	sdelay $0x4  }
0x37: {  	[tilespmem:s24+$0x1C780] =	vst v0;
	v0 =	vld [tilespmem:s24+$0x187A0]  }
0x38: {  	v1 =	vld.idx.msk [tilespmem:v1+s5+$0x0], $0xffff;
	_ =	sdelay $0x4  }
0x39: {  	[tilespmem:s24+$0x1C790] =	vst v1;
	v1 =	vld [tilespmem:s24+$0x187B0];
	_ =	sdelay $0x1  }
0x3a: {  	v0 =	vld.idx.msk [tilespmem:v0+s5+$0x0], $0xffff;
	_ =	sdelay $0x4  }
0x3b: {  	[tilespmem:s24+$0x1C7A0] =	vst v0;
	v0 =	vld [tilespmem:s24+$0x187C0]  }
0x3c: {  	v1 =	vld.idx.msk [tilespmem:v1+s5+$0x0], $0xffff;
	_ =	sdelay $0x4  }
0x3d: {  	[tilespmem:s24+$0x1C7B0] =	vst v1;
	v1 =	vld [tilespmem:s24+$0x187D0];
	_ =	sdelay $0x1  }
0x3e: {  	v0 =	vld.idx.msk [tilespmem:v0+s5+$0x0], $0xffff;
	_ =	sdelay $0x4  }
0x3f: {  	v2 =	vld [tilespmem:s24+$0x187E0];
	[tilespmem:s24+$0x1C7C0] =	vst v0  }
0x40: {  	v0 =	vld.idx.msk [tilespmem:v1+s5+$0x0], $0xffff;
	_ =	sdelay $0x4  }
0x41: {  	[tilespmem:s24+$0x1C7D0] =	vst v0;
	v0 =	vld [tilespmem:s24+$0x187F0];
	_ =	sdelay $0x1  }
0x42: {  	v1 =	vld.idx.msk [tilespmem:v2+s5+$0x0], $0xffff;
	_ =	sdelay $0x3  }
0x43: {  	s26 =	simm.s32 $0x100;
	s25 =	simm.s32 $0x800  }
.LBB2_3:
0x44: {  	p1 =	sne.s32 s25, $0x3C00;
	v2 =	vld [tilespmem:s26+$0x18700];
	[tilespmem:s24+$0x1C7E0] =	vst v1  }
0x45: {  	v0 =	vld.idx.msk [tilespmem:v0+s5+$0x0], $0xffff;
	_ =	sdelay $0x5  }
0x46: {  	v1 =	vld [tilespmem:s26+$0x18710];
	[tilespmem:s24+$0x1C7F0] =	vst v0;
	s24 =	smov.u32 s26  }
0x47: {  	v0 =	vld.idx.msk [tilespmem:v2+s5+$0x0], $0xffff;
	_ =	sdelay $0x5  }
0x48: {  	[tilespmem:s24+$0x1C700] =	vst v0;
	v0 =	vld [tilespmem:s24+$0x18720]  }
0x49: {  	v1 =	vld.idx.msk [tilespmem:v1+s5+$0x0], $0xffff;
	_ =	sdelay $0x5  }
0x4a: {  	[tilespmem:s24+$0x1C710] =	vst v1;
	v1 =	vld [tilespmem:s24+$0x18730]  }
0x4b: {  	v0 =	vld.idx.msk [tilespmem:v0+s5+$0x0], $0xffff;
	_ =	sdelay $0x5  }
0x4c: {  	[tilespmem:s24+$0x1C720] =	vst v0;
	v0 =	vld [tilespmem:s24+$0x18740]  }
0x4d: {  	v1 =	vld.idx.msk [tilespmem:v1+s5+$0x0], $0xffff;
	_ =	sdelay $0x5  }
0x4e: {  	[tilespmem:s24+$0x1C730] =	vst v1;
	v1 =	vld [tilespmem:s24+$0x18750]  }
0x4f: {  	v0 =	vld.idx.msk [tilespmem:v0+s5+$0x0], $0xffff;
	_ =	sdelay $0x5  }
0x50: {  	[tilespmem:s24+$0x1C740] =	vst v0;
	v0 =	vld [tilespmem:s24+$0x18760]  }
0x51: {  	v1 =	vld.idx.msk [tilespmem:v1+s5+$0x0], $0xffff;
	_ =	sdelay $0x5  }
0x52: {  	[tilespmem:s24+$0x1C750] =	vst v1;
	v1 =	vld [tilespmem:s24+$0x18770]  }
0x53: {  	v0 =	vld.idx.msk [tilespmem:v0+s5+$0x0], $0xffff;
	_ =	sdelay $0x5  }
0x54: {  	[tilespmem:s24+$0x1C760] =	vst v0;
	v0 =	vld [tilespmem:s24+$0x18780]  }
0x55: {  	v1 =	vld.idx.msk [tilespmem:v1+s5+$0x0], $0xffff;
	_ =	sdelay $0x5  }
0x56: {  	[tilespmem:s24+$0x1C770] =	vst v1;
	v1 =	vld [tilespmem:s24+$0x18790]  }
0x57: {  	v0 =	vld.idx.msk [tilespmem:v0+s5+$0x0], $0xffff;
	_ =	sdelay $0x5  }
0x58: {  	[tilespmem:s24+$0x1C780] =	vst v0;
	v0 =	vld [tilespmem:s24+$0x187A0]  }
0x59: {  	v1 =	vld.idx.msk [tilespmem:v1+s5+$0x0], $0xffff;
	_ =	sdelay $0x5  }
0x5a: {  	[tilespmem:s24+$0x1C790] =	vst v1;
	v1 =	vld [tilespmem:s24+$0x187B0]  }
0x5b: {  	v0 =	vld.idx.msk [tilespmem:v0+s5+$0x0], $0xffff;
	_ =	sdelay $0x5  }
0x5c: {  	[tilespmem:s24+$0x1C7A0] =	vst v0;
	v0 =	vld [tilespmem:s24+$0x187C0]  }
0x5d: {  	v1 =	vld.idx.msk [tilespmem:v1+s5+$0x0], $0xffff;
	_ =	sdelay $0x5  }
0x5e: {  	[tilespmem:s24+$0x1C7B0] =	vst v1;
	v1 =	vld [tilespmem:s24+$0x187D0]  }
0x5f: {  	v0 =	vld.idx.msk [tilespmem:v0+s5+$0x0], $0xffff;
	_ =	sdelay $0x5  }
0x60: {  	[tilespmem:s24+$0x1C7C0] =	vst v0;
	v2 =	vld [tilespmem:s24+$0x187E0]  }
0x61: {  	v0 =	vld.idx.msk [tilespmem:v1+s5+$0x0], $0xffff;
	_ =	sdelay $0x5  }
0x62: {  	[tilespmem:s24+$0x1C7D0] =	vst v0;
	v0 =	vld [tilespmem:s24+$0x187F0]  }
0x63: {  	v1 =	vld.idx.msk [tilespmem:v2+s5+$0x0], $0xffff  }
.Ltmp0:
0x64: {  	(pc) =	sbr.rel @p1 .LBB2_3-.Ltmp0, $2  }
0x65: {  	_ =	sdelay $0x2  }
0x66: {  	s26 =	sshra.s32 s25, $0x2;
	s25 =	sadd.s32 $0x400, s25  }
0x67: {  	_ =	sdelay $0x1  }
0x68: {  	v2 =	vld [tilespmem:s26+$0x18700]  }
0x69: {  	[tilespmem:s24+$0x1C7E0] =	vst v1  }
0x6a: {  	v0 =	vld.idx.msk [tilespmem:v0+s5+$0x0], $0xffff;
	_ =	sdelay $0x3  }
0x6b: {  	v1 =	vld [tilespmem:s26+$0x18710]  }
0x6c: {  	[tilespmem:s24+$0x1C7F0] =	vst v0  }
0x6d: {  	v0 =	vld.idx.msk [tilespmem:v2+s5+$0x0], $0xffff;
	_ =	sdelay $0x4  }
0x6e: {  	[tilespmem:s26+$0x1C700] =	vst v0;
	v0 =	vld [tilespmem:s26+$0x18720]  }
0x6f: {  	v1 =	vld.idx.msk [tilespmem:v1+s5+$0x0], $0xffff;
	_ =	sdelay $0x4  }
0x70: {  	[tilespmem:s26+$0x1C710] =	vst v1;
	v1 =	vld [tilespmem:s26+$0x18730];
	_ =	sdelay $0x1  }
0x71: {  	v0 =	vld.idx.msk [tilespmem:v0+s5+$0x0], $0xffff;
	_ =	sdelay $0x4  }
0x72: {  	[tilespmem:s26+$0x1C720] =	vst v0;
	v0 =	vld [tilespmem:s26+$0x18740]  }
0x73: {  	v1 =	vld.idx.msk [tilespmem:v1+s5+$0x0], $0xffff;
	_ =	sdelay $0x4  }
0x74: {  	[tilespmem:s26+$0x1C730] =	vst v1;
	v1 =	vld [tilespmem:s26+$0x18750];
	_ =	sdelay $0x1  }
0x75: {  	v0 =	vld.idx.msk [tilespmem:v0+s5+$0x0], $0xffff;
	_ =	sdelay $0x4  }
0x76: {  	[tilespmem:s26+$0x1C740] =	vst v0;
	v0 =	vld [tilespmem:s26+$0x18760]  }
0x77: {  	v1 =	vld.idx.msk [tilespmem:v1+s5+$0x0], $0xffff;
	_ =	sdelay $0x4  }
0x78: {  	[tilespmem:s26+$0x1C750] =	vst v1;
	v1 =	vld [tilespmem:s26+$0x18770];
	_ =	sdelay $0x1  }
0x79: {  	v0 =	vld.idx.msk [tilespmem:v0+s5+$0x0], $0xffff;
	_ =	sdelay $0x4  }
0x7a: {  	[tilespmem:s26+$0x1C760] =	vst v0;
	v0 =	vld [tilespmem:s26+$0x18780]  }
0x7b: {  	v1 =	vld.idx.msk [tilespmem:v1+s5+$0x0], $0xffff;
	_ =	sdelay $0x4  }
0x7c: {  	[tilespmem:s26+$0x1C770] =	vst v1;
	v1 =	vld [tilespmem:s26+$0x18790];
	_ =	sdelay $0x1  }
0x7d: {  	v0 =	vld.idx.msk [tilespmem:v0+s5+$0x0], $0xffff;
	_ =	sdelay $0x4  }
0x7e: {  	[tilespmem:s26+$0x1C780] =	vst v0;
	v0 =	vld [tilespmem:s26+$0x187A0]  }
0x7f: {  	v1 =	vld.idx.msk [tilespmem:v1+s5+$0x0], $0xffff;
	_ =	sdelay $0x4  }
0x80: {  	[tilespmem:s26+$0x1C790] =	vst v1;
	v1 =	vld [tilespmem:s26+$0x187B0];
	_ =	sdelay $0x1  }
0x81: {  	v0 =	vld.idx.msk [tilespmem:v0+s5+$0x0], $0xffff;
	_ =	sdelay $0x4  }
0x82: {  	[tilespmem:s26+$0x1C7A0] =	vst v0;
	v0 =	vld [tilespmem:s26+$0x187C0]  }
0x83: {  	v1 =	vld.idx.msk [tilespmem:v1+s5+$0x0], $0xffff;
	_ =	sdelay $0x4  }
0x84: {  	[tilespmem:s26+$0x1C7B0] =	vst v1;
	v1 =	vld [tilespmem:s26+$0x187D0];
	_ =	sdelay $0x1  }
0x85: {  	v0 =	vld.idx.msk [tilespmem:v0+s5+$0x0], $0xffff;
	_ =	sdelay $0x4  }
0x86: {  	[tilespmem:s26+$0x1C7C0] =	vst v0;
	v0 =	vld [tilespmem:s26+$0x187E0]  }
0x87: {  	v1 =	vld.idx.msk [tilespmem:v1+s5+$0x0], $0xffff;
	_ =	sdelay $0x4  }
0x88: {  	[tilespmem:s26+$0x1C7D0] =	vst v1;
	v1 =	vld [tilespmem:s26+$0x187F0];
	_ =	sdelay $0x1  }
0x89: {  	v0 =	vld.idx.msk [tilespmem:v0+s5+$0x0], $0xffff;
	_ =	sdelay $0x4  }
0x8a: {  	[tilespmem:s26+$0x1C7E0] =	vst v0  }
0x8b: {  	v0 =	vld.idx.msk [tilespmem:v1+s5+$0x0], $0xffff  }
0x8c: {  	s21 =	sshll.u32 s21, $0x12;
	s22 =	sshll.u32 s22, $0x11  }
0x8d: {  	s21 =	sor.u32 s21, s22  }
0x8e: {  	s21 =	sor.u32 s23, s21  }
0x8f: {  	s21 =	sshrl.u32 s21, $0x3  }
0x90: {  	s22 =	simm.s32 @!p0 $0x2;
	s31 =	sadd.s32 s4, s21;
	[tilespmem:s26+$0x1C7F0] =	vst v0  }
0x91: {  	[hbm4b:s31+s11] =	stream.strided.scatter [tilespmem:s15], [sflag:$0x1], $0x1000, s12, s11, $0x38;
	[tilespmem:$0x1E700] =	vst v63  }
0x92: {  	_ =	swait.ge @!p0 [sflag:s22], $0x1000  }
0x93: {  	[sflag:s22] =	ssyncset.done @!p0 $0x0  }
0x94: {  	[sflag:s22] =	ssyncadd.s32 @!p0 $0xFFFFF000;
	s22 =	simm.s32 $0x0  }
0x95: {  	v0 =	vld [tilespmem:s22+$0x19700];
	_ =	sdelay $0x5  }
0x96: {  	v1 =	vld [tilespmem:s22+$0x19710];
	_ =	sdelay $0x1  }
0x97: {  	v0 =	vld.idx.msk [tilespmem:v0+s5+$0x0], $0xffff;
	_ =	sdelay $0x4  }
0x98: {  	[tilespmem:s22+$0x1D700] =	vst v0;
	v0 =	vld [tilespmem:s22+$0x19720]  }
0x99: {  	v1 =	vld.idx.msk [tilespmem:v1+s5+$0x0], $0xffff;
	_ =	sdelay $0x4  }
0x9a: {  	[tilespmem:s22+$0x1D710] =	vst v1;
	v1 =	vld [tilespmem:s22+$0x19730];
	_ =	sdelay $0x1  }
0x9b: {  	v0 =	vld.idx.msk [tilespmem:v0+s5+$0x0], $0xffff;
	_ =	sdelay $0x4  }
0x9c: {  	[tilespmem:s22+$0x1D720] =	vst v0;
	v0 =	vld [tilespmem:s22+$0x19740]  }
0x9d: {  	v1 =	vld.idx.msk [tilespmem:v1+s5+$0x0], $0xffff;
	_ =	sdelay $0x4  }
0x9e: {  	[tilespmem:s22+$0x1D730] =	vst v1;
	v1 =	vld [tilespmem:s22+$0x19750];
	_ =	sdelay $0x1  }
0x9f: {  	v0 =	vld.idx.msk [tilespmem:v0+s5+$0x0], $0xffff;
	_ =	sdelay $0x4  }
0xa0: {  	[tilespmem:s22+$0x1D740] =	vst v0;
	v0 =	vld [tilespmem:s22+$0x19760]  }
0xa1: {  	v1 =	vld.idx.msk [tilespmem:v1+s5+$0x0], $0xffff;
	_ =	sdelay $0x4  }
0xa2: {  	[tilespmem:s22+$0x1D750] =	vst v1;
	v1 =	vld [tilespmem:s22+$0x19770];
	_ =	sdelay $0x1  }
0xa3: {  	v0 =	vld.idx.msk [tilespmem:v0+s5+$0x0], $0xffff;
	_ =	sdelay $0x4  }
0xa4: {  	[tilespmem:s22+$0x1D760] =	vst v0;
	v0 =	vld [tilespmem:s22+$0x19780]  }
0xa5: {  	v1 =	vld.idx.msk [tilespmem:v1+s5+$0x0], $0xffff;
	_ =	sdelay $0x4  }
0xa6: {  	[tilespmem:s22+$0x1D770] =	vst v1;
	v1 =	vld [tilespmem:s22+$0x19790];
	_ =	sdelay $0x1  }
0xa7: {  	v0 =	vld.idx.msk [tilespmem:v0+s5+$0x0], $0xffff;
	_ =	sdelay $0x4  }
0xa8: {  	[tilespmem:s22+$0x1D780] =	vst v0;
	v0 =	vld [tilespmem:s22+$0x197A0]  }
0xa9: {  	v1 =	vld.idx.msk [tilespmem:v1+s5+$0x0], $0xffff;
	_ =	sdelay $0x4  }
0xaa: {  	[tilespmem:s22+$0x1D790] =	vst v1;
	v1 =	vld [tilespmem:s22+$0x197B0];
	_ =	sdelay $0x1  }
0xab: {  	v0 =	vld.idx.msk [tilespmem:v0+s5+$0x0], $0xffff;
	_ =	sdelay $0x4  }
0xac: {  	[tilespmem:s22+$0x1D7A0] =	vst v0;
	v0 =	vld [tilespmem:s22+$0x197C0]  }
0xad: {  	v1 =	vld.idx.msk [tilespmem:v1+s5+$0x0], $0xffff;
	_ =	sdelay $0x4  }
0xae: {  	[tilespmem:s22+$0x1D7B0] =	vst v1;
	v1 =	vld [tilespmem:s22+$0x197D0];
	_ =	sdelay $0x1  }
0xaf: {  	v0 =	vld.idx.msk [tilespmem:v0+s5+$0x0], $0xffff;
	_ =	sdelay $0x4  }
0xb0: {  	v2 =	vld [tilespmem:s22+$0x197E0];
	[tilespmem:s22+$0x1D7C0] =	vst v0  }
0xb1: {  	v0 =	vld.idx.msk [tilespmem:v1+s5+$0x0], $0xffff;
	_ =	sdelay $0x4  }
0xb2: {  	[tilespmem:s22+$0x1D7D0] =	vst v0;
	v0 =	vld [tilespmem:s22+$0x197F0];
	_ =	sdelay $0x1  }
0xb3: {  	v1 =	vld.idx.msk [tilespmem:v2+s5+$0x0], $0xffff;
	_ =	sdelay $0x3  }
0xb4: {  	s23 =	simm.s32 $0x800;
	s24 =	simm.s32 $0x100  }
.LBB2_5:
0xb5: {  	p0 =	sne.s32 s23, $0x3C00;
	v2 =	vld [tilespmem:s24+$0x19700];
	[tilespmem:s22+$0x1D7E0] =	vst v1  }
0xb6: {  	v0 =	vld.idx.msk [tilespmem:v0+s5+$0x0], $0xffff;
	_ =	sdelay $0x5  }
0xb7: {  	v1 =	vld [tilespmem:s24+$0x19710];
	[tilespmem:s22+$0x1D7F0] =	vst v0;
	s22 =	smov.u32 s24  }
0xb8: {  	v0 =	vld.idx.msk [tilespmem:v2+s5+$0x0], $0xffff;
	_ =	sdelay $0x5  }
0xb9: {  	[tilespmem:s22+$0x1D700] =	vst v0;
	v0 =	vld [tilespmem:s22+$0x19720]  }
0xba: {  	v1 =	vld.idx.msk [tilespmem:v1+s5+$0x0], $0xffff;
	_ =	sdelay $0x5  }
0xbb: {  	[tilespmem:s22+$0x1D710] =	vst v1;
	v1 =	vld [tilespmem:s22+$0x19730]  }
0xbc: {  	v0 =	vld.idx.msk [tilespmem:v0+s5+$0x0], $0xffff;
	_ =	sdelay $0x5  }
0xbd: {  	[tilespmem:s22+$0x1D720] =	vst v0;
	v0 =	vld [tilespmem:s22+$0x19740]  }
0xbe: {  	v1 =	vld.idx.msk [tilespmem:v1+s5+$0x0], $0xffff;
	_ =	sdelay $0x5  }
0xbf: {  	[tilespmem:s22+$0x1D730] =	vst v1;
	v1 =	vld [tilespmem:s22+$0x19750]  }
0xc0: {  	v0 =	vld.idx.msk [tilespmem:v0+s5+$0x0], $0xffff;
	_ =	sdelay $0x5  }
0xc1: {  	[tilespmem:s22+$0x1D740] =	vst v0;
	v0 =	vld [tilespmem:s22+$0x19760]  }
0xc2: {  	v1 =	vld.idx.msk [tilespmem:v1+s5+$0x0], $0xffff;
	_ =	sdelay $0x5  }
0xc3: {  	[tilespmem:s22+$0x1D750] =	vst v1;
	v1 =	vld [tilespmem:s22+$0x19770]  }
0xc4: {  	v0 =	vld.idx.msk [tilespmem:v0+s5+$0x0], $0xffff;
	_ =	sdelay $0x5  }
0xc5: {  	[tilespmem:s22+$0x1D760] =	vst v0;
	v0 =	vld [tilespmem:s22+$0x19780]  }
0xc6: {  	v1 =	vld.idx.msk [tilespmem:v1+s5+$0x0], $0xffff;
	_ =	sdelay $0x5  }
0xc7: {  	[tilespmem:s22+$0x1D770] =	vst v1;
	v1 =	vld [tilespmem:s22+$0x19790]  }
0xc8: {  	v0 =	vld.idx.msk [tilespmem:v0+s5+$0x0], $0xffff;
	_ =	sdelay $0x5  }
0xc9: {  	[tilespmem:s22+$0x1D780] =	vst v0;
	v0 =	vld [tilespmem:s22+$0x197A0]  }
0xca: {  	v1 =	vld.idx.msk [tilespmem:v1+s5+$0x0], $0xffff;
	_ =	sdelay $0x5  }
0xcb: {  	[tilespmem:s22+$0x1D790] =	vst v1;
	v1 =	vld [tilespmem:s22+$0x197B0]  }
0xcc: {  	v0 =	vld.idx.msk [tilespmem:v0+s5+$0x0], $0xffff;
	_ =	sdelay $0x5  }
0xcd: {  	[tilespmem:s22+$0x1D7A0] =	vst v0;
	v0 =	vld [tilespmem:s22+$0x197C0]  }
0xce: {  	v1 =	vld.idx.msk [tilespmem:v1+s5+$0x0], $0xffff;
	_ =	sdelay $0x5  }
0xcf: {  	[tilespmem:s22+$0x1D7B0] =	vst v1;
	v1 =	vld [tilespmem:s22+$0x197D0]  }
0xd0: {  	v0 =	vld.idx.msk [tilespmem:v0+s5+$0x0], $0xffff;
	_ =	sdelay $0x5  }
0xd1: {  	[tilespmem:s22+$0x1D7C0] =	vst v0;
	v2 =	vld [tilespmem:s22+$0x197E0]  }
0xd2: {  	v0 =	vld.idx.msk [tilespmem:v1+s5+$0x0], $0xffff;
	_ =	sdelay $0x5  }
0xd3: {  	[tilespmem:s22+$0x1D7D0] =	vst v0;
	v0 =	vld [tilespmem:s22+$0x197F0]  }
0xd4: {  	v1 =	vld.idx.msk [tilespmem:v2+s5+$0x0], $0xffff  }
.Ltmp1:
0xd5: {  	(pc) =	sbr.rel @p0 .LBB2_5-.Ltmp1, $2  }
0xd6: {  	_ =	sdelay $0x2  }
0xd7: {  	s24 =	sshra.s32 s23, $0x2;
	s23 =	sadd.s32 $0x400, s23  }
0xd8: {  	_ =	sdelay $0x1  }
0xd9: {  	v2 =	vld [tilespmem:s24+$0x19700]  }
0xda: {  	[tilespmem:s22+$0x1D7E0] =	vst v1  }
0xdb: {  	v0 =	vld.idx.msk [tilespmem:v0+s5+$0x0], $0xffff;
	_ =	sdelay $0x3  }
0xdc: {  	v1 =	vld [tilespmem:s24+$0x19710]  }
0xdd: {  	[tilespmem:s22+$0x1D7F0] =	vst v0  }
0xde: {  	v0 =	vld.idx.msk [tilespmem:v2+s5+$0x0], $0xffff;
	_ =	sdelay $0x4  }
0xdf: {  	[tilespmem:s24+$0x1D700] =	vst v0;
	v0 =	vld [tilespmem:s24+$0x19720]  }
0xe0: {  	v1 =	vld.idx.msk [tilespmem:v1+s5+$0x0], $0xffff;
	_ =	sdelay $0x4  }
0xe1: {  	[tilespmem:s24+$0x1D710] =	vst v1;
	v1 =	vld [tilespmem:s24+$0x19730];
	_ =	sdelay $0x1  }
0xe2: {  	v0 =	vld.idx.msk [tilespmem:v0+s5+$0x0], $0xffff;
	_ =	sdelay $0x4  }
0xe3: {  	[tilespmem:s24+$0x1D720] =	vst v0;
	v0 =	vld [tilespmem:s24+$0x19740]  }
0xe4: {  	v1 =	vld.idx.msk [tilespmem:v1+s5+$0x0], $0xffff;
	_ =	sdelay $0x4  }
0xe5: {  	[tilespmem:s24+$0x1D730] =	vst v1;
	v1 =	vld [tilespmem:s24+$0x19750];
	_ =	sdelay $0x1  }
0xe6: {  	v0 =	vld.idx.msk [tilespmem:v0+s5+$0x0], $0xffff;
	_ =	sdelay $0x4  }
0xe7: {  	[tilespmem:s24+$0x1D740] =	vst v0;
	v0 =	vld [tilespmem:s24+$0x19760]  }
0xe8: {  	v1 =	vld.idx.msk [tilespmem:v1+s5+$0x0], $0xffff;
	_ =	sdelay $0x4  }
0xe9: {  	[tilespmem:s24+$0x1D750] =	vst v1;
	v1 =	vld [tilespmem:s24+$0x19770];
	_ =	sdelay $0x1  }
0xea: {  	v0 =	vld.idx.msk [tilespmem:v0+s5+$0x0], $0xffff;
	_ =	sdelay $0x4  }
0xeb: {  	[tilespmem:s24+$0x1D760] =	vst v0;
	v0 =	vld [tilespmem:s24+$0x19780]  }
0xec: {  	v1 =	vld.idx.msk [tilespmem:v1+s5+$0x0], $0xffff;
	_ =	sdelay $0x4  }
0xed: {  	[tilespmem:s24+$0x1D770] =	vst v1;
	v1 =	vld [tilespmem:s24+$0x19790];
	_ =	sdelay $0x1  }
0xee: {  	v0 =	vld.idx.msk [tilespmem:v0+s5+$0x0], $0xffff;
	_ =	sdelay $0x4  }
0xef: {  	[tilespmem:s24+$0x1D780] =	vst v0;
	v0 =	vld [tilespmem:s24+$0x197A0]  }
0xf0: {  	v1 =	vld.idx.msk [tilespmem:v1+s5+$0x0], $0xffff;
	_ =	sdelay $0x4  }
0xf1: {  	[tilespmem:s24+$0x1D790] =	vst v1;
	v1 =	vld [tilespmem:s24+$0x197B0];
	_ =	sdelay $0x1  }
0xf2: {  	v0 =	vld.idx.msk [tilespmem:v0+s5+$0x0], $0xffff;
	_ =	sdelay $0x4  }
0xf3: {  	[tilespmem:s24+$0x1D7A0] =	vst v0;
	v0 =	vld [tilespmem:s24+$0x197C0]  }
0xf4: {  	v1 =	vld.idx.msk [tilespmem:v1+s5+$0x0], $0xffff;
	_ =	sdelay $0x4  }
0xf5: {  	[tilespmem:s24+$0x1D7B0] =	vst v1;
	v1 =	vld [tilespmem:s24+$0x197D0];
	_ =	sdelay $0x1  }
0xf6: {  	v0 =	vld.idx.msk [tilespmem:v0+s5+$0x0], $0xffff;
	_ =	sdelay $0x4  }
0xf7: {  	[tilespmem:s24+$0x1D7C0] =	vst v0;
	v0 =	vld [tilespmem:s24+$0x197E0]  }
0xf8: {  	v1 =	vld.idx.msk [tilespmem:v1+s5+$0x0], $0xffff;
	_ =	sdelay $0x4  }
0xf9: {  	[tilespmem:s24+$0x1D7D0] =	vst v1;
	v1 =	vld [tilespmem:s24+$0x197F0];
	_ =	sdelay $0x1  }
0xfa: {  	v0 =	vld.idx.msk [tilespmem:v0+s5+$0x0], $0xffff;
	_ =	sdelay $0x4  }
0xfb: {  	[tilespmem:s24+$0x1D7E0] =	vst v0  }
0xfc: {  	v0 =	vld.idx.msk [tilespmem:v1+s5+$0x0], $0xffff;
	_ =	sdelay $0x4  }
0xfd: {  	s31 =	sadd.s32 s21, s7;
	[tilespmem:s24+$0x1D7F0] =	vst v0  }
0xfe: {  	[hbm4b:s31+s11] =	stream.strided.scatter [tilespmem:s16], [sflag:$0x2], $0x1000, s12, s11, $0x38;
	[tilespmem:$0x1E700] =	vst v63  }
0xff: {  	_ =	swait.ge [sflag:s17], $0x1000  }
0x100: {  	[sflag:s17] =	ssyncset.done $0x0  }
0x101: {  	s23 =	simm.s32 $0x0;
	[sflag:s17] =	ssyncadd.s32 $0xFFFFF000  }
0x102: {  	v0 =	vld [tilespmem:s23+$0x1A700];
	_ =	sdelay $0x5  }
0x103: {  	v1 =	vld [tilespmem:s23+$0x1A710];
	_ =	sdelay $0x1  }
0x104: {  	v0 =	vld.idx.msk [tilespmem:v0+s5+$0x0], $0xffff;
	_ =	sdelay $0x4  }
0x105: {  	[tilespmem:s23+$0x1C700] =	vst v0;
	v0 =	vld [tilespmem:s23+$0x1A720]  }
0x106: {  	v1 =	vld.idx.msk [tilespmem:v1+s5+$0x0], $0xffff;
	_ =	sdelay $0x4  }
0x107: {  	[tilespmem:s23+$0x1C710] =	vst v1;
	v1 =	vld [tilespmem:s23+$0x1A730];
	_ =	sdelay $0x1  }
0x108: {  	v0 =	vld.idx.msk [tilespmem:v0+s5+$0x0], $0xffff;
	_ =	sdelay $0x4  }
0x109: {  	[tilespmem:s23+$0x1C720] =	vst v0;
	v0 =	vld [tilespmem:s23+$0x1A740]  }
0x10a: {  	v1 =	vld.idx.msk [tilespmem:v1+s5+$0x0], $0xffff;
	_ =	sdelay $0x4  }
0x10b: {  	[tilespmem:s23+$0x1C730] =	vst v1;
	v1 =	vld [tilespmem:s23+$0x1A750];
	_ =	sdelay $0x1  }
0x10c: {  	v0 =	vld.idx.msk [tilespmem:v0+s5+$0x0], $0xffff;
	_ =	sdelay $0x4  }
0x10d: {  	[tilespmem:s23+$0x1C740] =	vst v0;
	v0 =	vld [tilespmem:s23+$0x1A760]  }
0x10e: {  	v1 =	vld.idx.msk [tilespmem:v1+s5+$0x0], $0xffff;
	_ =	sdelay $0x4  }
0x10f: {  	[tilespmem:s23+$0x1C750] =	vst v1;
	v1 =	vld [tilespmem:s23+$0x1A770];
	_ =	sdelay $0x1  }
0x110: {  	v0 =	vld.idx.msk [tilespmem:v0+s5+$0x0], $0xffff;
	_ =	sdelay $0x4  }
0x111: {  	[tilespmem:s23+$0x1C760] =	vst v0;
	v0 =	vld [tilespmem:s23+$0x1A780]  }
0x112: {  	v1 =	vld.idx.msk [tilespmem:v1+s5+$0x0], $0xffff;
	_ =	sdelay $0x4  }
0x113: {  	[tilespmem:s23+$0x1C770] =	vst v1;
	v1 =	vld [tilespmem:s23+$0x1A790];
	_ =	sdelay $0x1  }
0x114: {  	v0 =	vld.idx.msk [tilespmem:v0+s5+$0x0], $0xffff;
	_ =	sdelay $0x4  }
0x115: {  	[tilespmem:s23+$0x1C780] =	vst v0;
	v0 =	vld [tilespmem:s23+$0x1A7A0]  }
0x116: {  	v1 =	vld.idx.msk [tilespmem:v1+s5+$0x0], $0xffff;
	_ =	sdelay $0x4  }
0x117: {  	[tilespmem:s23+$0x1C790] =	vst v1;
	v1 =	vld [tilespmem:s23+$0x1A7B0];
	_ =	sdelay $0x1  }
0x118: {  	v0 =	vld.idx.msk [tilespmem:v0+s5+$0x0], $0xffff;
	_ =	sdelay $0x4  }
0x119: {  	[tilespmem:s23+$0x1C7A0] =	vst v0;
	v0 =	vld [tilespmem:s23+$0x1A7C0]  }
0x11a: {  	v1 =	vld.idx.msk [tilespmem:v1+s5+$0x0], $0xffff;
	_ =	sdelay $0x4  }
0x11b: {  	[tilespmem:s23+$0x1C7B0] =	vst v1;
	v1 =	vld [tilespmem:s23+$0x1A7D0];
	_ =	sdelay $0x1  }
0x11c: {  	v0 =	vld.idx.msk [tilespmem:v0+s5+$0x0], $0xffff;
	_ =	sdelay $0x4  }
0x11d: {  	v2 =	vld [tilespmem:s23+$0x1A7E0];
	[tilespmem:s23+$0x1C7C0] =	vst v0  }
0x11e: {  	v0 =	vld.idx.msk [tilespmem:v1+s5+$0x0], $0xffff;
	_ =	sdelay $0x4  }
0x11f: {  	[tilespmem:s23+$0x1C7D0] =	vst v0;
	v0 =	vld [tilespmem:s23+$0x1A7F0];
	_ =	sdelay $0x1  }
0x120: {  	v1 =	vld.idx.msk [tilespmem:v2+s5+$0x0], $0xffff;
	_ =	sdelay $0x3  }
0x121: {  	s25 =	simm.s32 $0x100;
	s22 =	sadd.s32 s21, s8;
	s24 =	simm.s32 $0x800  }
.LBB2_7:
0x122: {  	p0 =	sne.s32 s24, $0x3C00;
	v2 =	vld [tilespmem:s25+$0x1A700];
	[tilespmem:s23+$0x1C7E0] =	vst v1  }
0x123: {  	v0 =	vld.idx.msk [tilespmem:v0+s5+$0x0], $0xffff;
	_ =	sdelay $0x5  }
0x124: {  	v1 =	vld [tilespmem:s25+$0x1A710];
	[tilespmem:s23+$0x1C7F0] =	vst v0;
	s23 =	smov.u32 s25  }
0x125: {  	v0 =	vld.idx.msk [tilespmem:v2+s5+$0x0], $0xffff;
	_ =	sdelay $0x5  }
0x126: {  	[tilespmem:s23+$0x1C700] =	vst v0;
	v0 =	vld [tilespmem:s23+$0x1A720]  }
0x127: {  	v1 =	vld.idx.msk [tilespmem:v1+s5+$0x0], $0xffff;
	_ =	sdelay $0x5  }
0x128: {  	[tilespmem:s23+$0x1C710] =	vst v1;
	v1 =	vld [tilespmem:s23+$0x1A730]  }
0x129: {  	v0 =	vld.idx.msk [tilespmem:v0+s5+$0x0], $0xffff;
	_ =	sdelay $0x5  }
0x12a: {  	[tilespmem:s23+$0x1C720] =	vst v0;
	v0 =	vld [tilespmem:s23+$0x1A740]  }
0x12b: {  	v1 =	vld.idx.msk [tilespmem:v1+s5+$0x0], $0xffff;
	_ =	sdelay $0x5  }
0x12c: {  	[tilespmem:s23+$0x1C730] =	vst v1;
	v1 =	vld [tilespmem:s23+$0x1A750]  }
0x12d: {  	v0 =	vld.idx.msk [tilespmem:v0+s5+$0x0], $0xffff;
	_ =	sdelay $0x5  }
0x12e: {  	[tilespmem:s23+$0x1C740] =	vst v0;
	v0 =	vld [tilespmem:s23+$0x1A760]  }
0x12f: {  	v1 =	vld.idx.msk [tilespmem:v1+s5+$0x0], $0xffff;
	_ =	sdelay $0x5  }
0x130: {  	[tilespmem:s23+$0x1C750] =	vst v1;
	v1 =	vld [tilespmem:s23+$0x1A770]  }
0x131: {  	v0 =	vld.idx.msk [tilespmem:v0+s5+$0x0], $0xffff;
	_ =	sdelay $0x5  }
0x132: {  	[tilespmem:s23+$0x1C760] =	vst v0;
	v0 =	vld [tilespmem:s23+$0x1A780]  }
0x133: {  	v1 =	vld.idx.msk [tilespmem:v1+s5+$0x0], $0xffff;
	_ =	sdelay $0x5  }
0x134: {  	[tilespmem:s23+$0x1C770] =	vst v1;
	v1 =	vld [tilespmem:s23+$0x1A790]  }
0x135: {  	v0 =	vld.idx.msk [tilespmem:v0+s5+$0x0], $0xffff;
	_ =	sdelay $0x5  }
0x136: {  	[tilespmem:s23+$0x1C780] =	vst v0;
	v0 =	vld [tilespmem:s23+$0x1A7A0]  }
0x137: {  	v1 =	vld.idx.msk [tilespmem:v1+s5+$0x0], $0xffff;
	_ =	sdelay $0x5  }
0x138: {  	[tilespmem:s23+$0x1C790] =	vst v1;
	v1 =	vld [tilespmem:s23+$0x1A7B0]  }
0x139: {  	v0 =	vld.idx.msk [tilespmem:v0+s5+$0x0], $0xffff;
	_ =	sdelay $0x5  }
0x13a: {  	[tilespmem:s23+$0x1C7A0] =	vst v0;
	v0 =	vld [tilespmem:s23+$0x1A7C0]  }
0x13b: {  	v1 =	vld.idx.msk [tilespmem:v1+s5+$0x0], $0xffff;
	_ =	sdelay $0x5  }
0x13c: {  	[tilespmem:s23+$0x1C7B0] =	vst v1;
	v1 =	vld [tilespmem:s23+$0x1A7D0]  }
0x13d: {  	v0 =	vld.idx.msk [tilespmem:v0+s5+$0x0], $0xffff;
	_ =	sdelay $0x5  }
0x13e: {  	[tilespmem:s23+$0x1C7C0] =	vst v0;
	v2 =	vld [tilespmem:s23+$0x1A7E0]  }
0x13f: {  	v0 =	vld.idx.msk [tilespmem:v1+s5+$0x0], $0xffff;
	_ =	sdelay $0x5  }
0x140: {  	[tilespmem:s23+$0x1C7D0] =	vst v0;
	v0 =	vld [tilespmem:s23+$0x1A7F0]  }
0x141: {  	v1 =	vld.idx.msk [tilespmem:v2+s5+$0x0], $0xffff  }
.Ltmp2:
0x142: {  	(pc) =	sbr.rel @p0 .LBB2_7-.Ltmp2, $2  }
0x143: {  	_ =	sdelay $0x2  }
0x144: {  	s25 =	sshra.s32 s24, $0x2;
	s24 =	sadd.s32 $0x400, s24  }
0x145: {  	_ =	sdelay $0x1  }
0x146: {  	v2 =	vld [tilespmem:s25+$0x1A700]  }
0x147: {  	[tilespmem:s23+$0x1C7E0] =	vst v1  }
0x148: {  	v0 =	vld.idx.msk [tilespmem:v0+s5+$0x0], $0xffff;
	_ =	sdelay $0x3  }
0x149: {  	v1 =	vld [tilespmem:s25+$0x1A710]  }
0x14a: {  	[tilespmem:s23+$0x1C7F0] =	vst v0  }
0x14b: {  	v0 =	vld.idx.msk [tilespmem:v2+s5+$0x0], $0xffff;
	_ =	sdelay $0x4  }
0x14c: {  	[tilespmem:s25+$0x1C700] =	vst v0;
	v0 =	vld [tilespmem:s25+$0x1A720]  }
0x14d: {  	v1 =	vld.idx.msk [tilespmem:v1+s5+$0x0], $0xffff;
	_ =	sdelay $0x4  }
0x14e: {  	[tilespmem:s25+$0x1C710] =	vst v1;
	v1 =	vld [tilespmem:s25+$0x1A730];
	_ =	sdelay $0x1  }
0x14f: {  	v0 =	vld.idx.msk [tilespmem:v0+s5+$0x0], $0xffff;
	_ =	sdelay $0x4  }
0x150: {  	[tilespmem:s25+$0x1C720] =	vst v0;
	v0 =	vld [tilespmem:s25+$0x1A740]  }
0x151: {  	v1 =	vld.idx.msk [tilespmem:v1+s5+$0x0], $0xffff;
	_ =	sdelay $0x4  }
0x152: {  	[tilespmem:s25+$0x1C730] =	vst v1;
	v1 =	vld [tilespmem:s25+$0x1A750];
	_ =	sdelay $0x1  }
0x153: {  	v0 =	vld.idx.msk [tilespmem:v0+s5+$0x0], $0xffff;
	_ =	sdelay $0x4  }
0x154: {  	[tilespmem:s25+$0x1C740] =	vst v0;
	v0 =	vld [tilespmem:s25+$0x1A760]  }
0x155: {  	v1 =	vld.idx.msk [tilespmem:v1+s5+$0x0], $0xffff;
	_ =	sdelay $0x4  }
0x156: {  	[tilespmem:s25+$0x1C750] =	vst v1;
	v1 =	vld [tilespmem:s25+$0x1A770];
	_ =	sdelay $0x1  }
0x157: {  	v0 =	vld.idx.msk [tilespmem:v0+s5+$0x0], $0xffff;
	_ =	sdelay $0x4  }
0x158: {  	[tilespmem:s25+$0x1C760] =	vst v0;
	v0 =	vld [tilespmem:s25+$0x1A780]  }
0x159: {  	v1 =	vld.idx.msk [tilespmem:v1+s5+$0x0], $0xffff;
	_ =	sdelay $0x4  }
0x15a: {  	[tilespmem:s25+$0x1C770] =	vst v1;
	v1 =	vld [tilespmem:s25+$0x1A790];
	_ =	sdelay $0x1  }
0x15b: {  	v0 =	vld.idx.msk [tilespmem:v0+s5+$0x0], $0xffff;
	_ =	sdelay $0x4  }
0x15c: {  	[tilespmem:s25+$0x1C780] =	vst v0;
	v0 =	vld [tilespmem:s25+$0x1A7A0]  }
0x15d: {  	v1 =	vld.idx.msk [tilespmem:v1+s5+$0x0], $0xffff;
	_ =	sdelay $0x4  }
0x15e: {  	[tilespmem:s25+$0x1C790] =	vst v1;
	v1 =	vld [tilespmem:s25+$0x1A7B0];
	_ =	sdelay $0x1  }
0x15f: {  	v0 =	vld.idx.msk [tilespmem:v0+s5+$0x0], $0xffff;
	_ =	sdelay $0x4  }
0x160: {  	[tilespmem:s25+$0x1C7A0] =	vst v0;
	v0 =	vld [tilespmem:s25+$0x1A7C0]  }
0x161: {  	v1 =	vld.idx.msk [tilespmem:v1+s5+$0x0], $0xffff;
	_ =	sdelay $0x4  }
0x162: {  	[tilespmem:s25+$0x1C7B0] =	vst v1;
	v1 =	vld [tilespmem:s25+$0x1A7D0];
	_ =	sdelay $0x1  }
0x163: {  	v0 =	vld.idx.msk [tilespmem:v0+s5+$0x0], $0xffff;
	_ =	sdelay $0x4  }
0x164: {  	[tilespmem:s25+$0x1C7C0] =	vst v0;
	v0 =	vld [tilespmem:s25+$0x1A7E0]  }
0x165: {  	v1 =	vld.idx.msk [tilespmem:v1+s5+$0x0], $0xffff;
	_ =	sdelay $0x4  }
0x166: {  	[tilespmem:s25+$0x1C7D0] =	vst v1;
	v1 =	vld [tilespmem:s25+$0x1A7F0];
	_ =	sdelay $0x1  }
0x167: {  	v0 =	vld.idx.msk [tilespmem:v0+s5+$0x0], $0xffff;
	_ =	sdelay $0x4  }
0x168: {  	[tilespmem:s25+$0x1C7E0] =	vst v0  }
0x169: {  	v0 =	vld.idx.msk [tilespmem:v1+s5+$0x0], $0xffff;
	_ =	sdelay $0x4  }
0x16a: {  	[tilespmem:s25+$0x1C7F0] =	vst v0  }
0x16b: {  	[hbm4b:s22+s11] =	stream.strided.scatter [tilespmem:s15], [sflag:$0x1], $0x1000, s12, s11, $0x38;
	[tilespmem:$0x1E700] =	vst v63  }
0x16c: {  	_ =	swait.ge [sflag:s18], $0x1000  }
0x16d: {  	[sflag:s18] =	ssyncset.done $0x0  }
0x16e: {  	s22 =	simm.s32 $0x0;
	[sflag:s18] =	ssyncadd.s32 $0xFFFFF000  }
0x16f: {  	v0 =	vld [tilespmem:s22+$0x1B700];
	_ =	sdelay $0x5  }
0x170: {  	v1 =	vld [tilespmem:s22+$0x1B710];
	_ =	sdelay $0x1  }
0x171: {  	v0 =	vld.idx.msk [tilespmem:v0+s5+$0x0], $0xffff;
	_ =	sdelay $0x4  }
0x172: {  	[tilespmem:s22+$0x1D700] =	vst v0;
	v0 =	vld [tilespmem:s22+$0x1B720]  }
0x173: {  	v1 =	vld.idx.msk [tilespmem:v1+s5+$0x0], $0xffff;
	_ =	sdelay $0x4  }
0x174: {  	[tilespmem:s22+$0x1D710] =	vst v1;
	v1 =	vld [tilespmem:s22+$0x1B730];
	_ =	sdelay $0x1  }
0x175: {  	v0 =	vld.idx.msk [tilespmem:v0+s5+$0x0], $0xffff;
	_ =	sdelay $0x4  }
0x176: {  	[tilespmem:s22+$0x1D720] =	vst v0;
	v0 =	vld [tilespmem:s22+$0x1B740]  }
0x177: {  	v1 =	vld.idx.msk [tilespmem:v1+s5+$0x0], $0xffff;
	_ =	sdelay $0x4  }
0x178: {  	[tilespmem:s22+$0x1D730] =	vst v1;
	v1 =	vld [tilespmem:s22+$0x1B750];
	_ =	sdelay $0x1  }
0x179: {  	v0 =	vld.idx.msk [tilespmem:v0+s5+$0x0], $0xffff;
	_ =	sdelay $0x4  }
0x17a: {  	[tilespmem:s22+$0x1D740] =	vst v0;
	v0 =	vld [tilespmem:s22+$0x1B760]  }
0x17b: {  	v1 =	vld.idx.msk [tilespmem:v1+s5+$0x0], $0xffff;
	_ =	sdelay $0x4  }
0x17c: {  	[tilespmem:s22+$0x1D750] =	vst v1;
	v1 =	vld [tilespmem:s22+$0x1B770];
	_ =	sdelay $0x1  }
0x17d: {  	v0 =	vld.idx.msk [tilespmem:v0+s5+$0x0], $0xffff;
	_ =	sdelay $0x4  }
0x17e: {  	[tilespmem:s22+$0x1D760] =	vst v0;
	v0 =	vld [tilespmem:s22+$0x1B780]  }
0x17f: {  	v1 =	vld.idx.msk [tilespmem:v1+s5+$0x0], $0xffff;
	_ =	sdelay $0x4  }
0x180: {  	[tilespmem:s22+$0x1D770] =	vst v1;
	v1 =	vld [tilespmem:s22+$0x1B790];
	_ =	sdelay $0x1  }
0x181: {  	v0 =	vld.idx.msk [tilespmem:v0+s5+$0x0], $0xffff;
	_ =	sdelay $0x4  }
0x182: {  	[tilespmem:s22+$0x1D780] =	vst v0;
	v0 =	vld [tilespmem:s22+$0x1B7A0]  }
0x183: {  	v1 =	vld.idx.msk [tilespmem:v1+s5+$0x0], $0xffff;
	_ =	sdelay $0x4  }
0x184: {  	[tilespmem:s22+$0x1D790] =	vst v1;
	v1 =	vld [tilespmem:s22+$0x1B7B0];
	_ =	sdelay $0x1  }
0x185: {  	v0 =	vld.idx.msk [tilespmem:v0+s5+$0x0], $0xffff;
	_ =	sdelay $0x4  }
0x186: {  	[tilespmem:s22+$0x1D7A0] =	vst v0;
	v0 =	vld [tilespmem:s22+$0x1B7C0]  }
0x187: {  	v1 =	vld.idx.msk [tilespmem:v1+s5+$0x0], $0xffff;
	_ =	sdelay $0x4  }
0x188: {  	[tilespmem:s22+$0x1D7B0] =	vst v1;
	v1 =	vld [tilespmem:s22+$0x1B7D0];
	_ =	sdelay $0x1  }
0x189: {  	v0 =	vld.idx.msk [tilespmem:v0+s5+$0x0], $0xffff;
	_ =	sdelay $0x4  }
0x18a: {  	v2 =	vld [tilespmem:s22+$0x1B7E0];
	[tilespmem:s22+$0x1D7C0] =	vst v0  }
0x18b: {  	v0 =	vld.idx.msk [tilespmem:v1+s5+$0x0], $0xffff;
	_ =	sdelay $0x4  }
0x18c: {  	[tilespmem:s22+$0x1D7D0] =	vst v0;
	v0 =	vld [tilespmem:s22+$0x1B7F0];
	_ =	sdelay $0x1  }
0x18d: {  	v1 =	vld.idx.msk [tilespmem:v2+s5+$0x0], $0xffff;
	_ =	sdelay $0x3  }
0x18e: {  	s21 =	sadd.s32 s21, s9;
	s24 =	simm.s32 $0x100;
	s23 =	simm.s32 $0x800  }
.LBB2_9:
0x18f: {  	p0 =	sne.s32 s23, $0x3C00;
	v2 =	vld [tilespmem:s24+$0x1B700];
	[tilespmem:s22+$0x1D7E0] =	vst v1  }
0x190: {  	v0 =	vld.idx.msk [tilespmem:v0+s5+$0x0], $0xffff;
	_ =	sdelay $0x5  }
0x191: {  	v1 =	vld [tilespmem:s24+$0x1B710];
	[tilespmem:s22+$0x1D7F0] =	vst v0;
	s22 =	smov.u32 s24  }
0x192: {  	v0 =	vld.idx.msk [tilespmem:v2+s5+$0x0], $0xffff;
	_ =	sdelay $0x5  }
0x193: {  	[tilespmem:s22+$0x1D700] =	vst v0;
	v0 =	vld [tilespmem:s22+$0x1B720]  }
0x194: {  	v1 =	vld.idx.msk [tilespmem:v1+s5+$0x0], $0xffff;
	_ =	sdelay $0x5  }
0x195: {  	[tilespmem:s22+$0x1D710] =	vst v1;
	v1 =	vld [tilespmem:s22+$0x1B730]  }
0x196: {  	v0 =	vld.idx.msk [tilespmem:v0+s5+$0x0], $0xffff;
	_ =	sdelay $0x5  }
0x197: {  	[tilespmem:s22+$0x1D720] =	vst v0;
	v0 =	vld [tilespmem:s22+$0x1B740]  }
0x198: {  	v1 =	vld.idx.msk [tilespmem:v1+s5+$0x0], $0xffff;
	_ =	sdelay $0x5  }
0x199: {  	[tilespmem:s22+$0x1D730] =	vst v1;
	v1 =	vld [tilespmem:s22+$0x1B750]  }
0x19a: {  	v0 =	vld.idx.msk [tilespmem:v0+s5+$0x0], $0xffff;
	_ =	sdelay $0x5  }
0x19b: {  	[tilespmem:s22+$0x1D740] =	vst v0;
	v0 =	vld [tilespmem:s22+$0x1B760]  }
0x19c: {  	v1 =	vld.idx.msk [tilespmem:v1+s5+$0x0], $0xffff;
	_ =	sdelay $0x5  }
0x19d: {  	[tilespmem:s22+$0x1D750] =	vst v1;
	v1 =	vld [tilespmem:s22+$0x1B770]  }
0x19e: {  	v0 =	vld.idx.msk [tilespmem:v0+s5+$0x0], $0xffff;
	_ =	sdelay $0x5  }
0x19f: {  	[tilespmem:s22+$0x1D760] =	vst v0;
	v0 =	vld [tilespmem:s22+$0x1B780]  }
0x1a0: {  	v1 =	vld.idx.msk [tilespmem:v1+s5+$0x0], $0xffff;
	_ =	sdelay $0x5  }
0x1a1: {  	[tilespmem:s22+$0x1D770] =	vst v1;
	v1 =	vld [tilespmem:s22+$0x1B790]  }
0x1a2: {  	v0 =	vld.idx.msk [tilespmem:v0+s5+$0x0], $0xffff;
	_ =	sdelay $0x5  }
0x1a3: {  	[tilespmem:s22+$0x1D780] =	vst v0;
	v0 =	vld [tilespmem:s22+$0x1B7A0]  }
0x1a4: {  	v1 =	vld.idx.msk [tilespmem:v1+s5+$0x0], $0xffff;
	_ =	sdelay $0x5  }
0x1a5: {  	[tilespmem:s22+$0x1D790] =	vst v1;
	v1 =	vld [tilespmem:s22+$0x1B7B0]  }
0x1a6: {  	v0 =	vld.idx.msk [tilespmem:v0+s5+$0x0], $0xffff;
	_ =	sdelay $0x5  }
0x1a7: {  	[tilespmem:s22+$0x1D7A0] =	vst v0;
	v0 =	vld [tilespmem:s22+$0x1B7C0]  }
0x1a8: {  	v1 =	vld.idx.msk [tilespmem:v1+s5+$0x0], $0xffff;
	_ =	sdelay $0x5  }
0x1a9: {  	[tilespmem:s22+$0x1D7B0] =	vst v1;
	v1 =	vld [tilespmem:s22+$0x1B7D0]  }
0x1aa: {  	v0 =	vld.idx.msk [tilespmem:v0+s5+$0x0], $0xffff;
	_ =	sdelay $0x5  }
0x1ab: {  	[tilespmem:s22+$0x1D7C0] =	vst v0;
	v2 =	vld [tilespmem:s22+$0x1B7E0]  }
0x1ac: {  	v0 =	vld.idx.msk [tilespmem:v1+s5+$0x0], $0xffff;
	_ =	sdelay $0x5  }
0x1ad: {  	[tilespmem:s22+$0x1D7D0] =	vst v0;
	v0 =	vld [tilespmem:s22+$0x1B7F0]  }
0x1ae: {  	v1 =	vld.idx.msk [tilespmem:v2+s5+$0x0], $0xffff  }
.Ltmp3:
0x1af: {  	(pc) =	sbr.rel @p0 .LBB2_9-.Ltmp3, $2  }
0x1b0: {  	_ =	sdelay $0x2  }
0x1b1: {  	s24 =	sshra.s32 s23, $0x2;
	s23 =	sadd.s32 $0x400, s23  }
0x1b2: {  	_ =	sdelay $0x1  }
0x1b3: {  	v2 =	vld [tilespmem:s24+$0x1B700]  }
0x1b4: {  	[tilespmem:s22+$0x1D7E0] =	vst v1  }
0x1b5: {  	v0 =	vld.idx.msk [tilespmem:v0+s5+$0x0], $0xffff;
	_ =	sdelay $0x3  }
0x1b6: {  	v1 =	vld [tilespmem:s24+$0x1B710]  }
0x1b7: {  	[tilespmem:s22+$0x1D7F0] =	vst v0  }
0x1b8: {  	v0 =	vld.idx.msk [tilespmem:v2+s5+$0x0], $0xffff;
	_ =	sdelay $0x3  }
0x1b9: {  	v50 =	vld [tilespmem:s24+$0x1B720]  }
0x1ba: {  	[tilespmem:s24+$0x1D700] =	vst v0  }
0x1bb: {  	v1 =	vld.idx.msk [tilespmem:v1+s5+$0x0], $0xffff;
	_ =	sdelay $0x3  }
0x1bc: {  	v51 =	vld [tilespmem:s24+$0x1B730]  }
0x1bd: {  	[tilespmem:s24+$0x1D710] =	vst v1  }
0x1be: {  	v0 =	vld.idx.msk [tilespmem:v50+s5+$0x0], $0xffff;
	_ =	sdelay $0x3  }
0x1bf: {  	v52 =	vld [tilespmem:s24+$0x1B740]  }
0x1c0: {  	[tilespmem:s24+$0x1D720] =	vst v0  }
0x1c1: {  	v1 =	vld.idx.msk [tilespmem:v51+s5+$0x0], $0xffff;
	_ =	sdelay $0x3  }
0x1c2: {  	v53 =	vld [tilespmem:s24+$0x1B750]  }
0x1c3: {  	[tilespmem:s24+$0x1D730] =	vst v1  }
0x1c4: {  	v0 =	vld.idx.msk [tilespmem:v52+s5+$0x0], $0xffff;
	_ =	sdelay $0x3  }
0x1c5: {  	v54 =	vld [tilespmem:s24+$0x1B760]  }
0x1c6: {  	[tilespmem:s24+$0x1D740] =	vst v0  }
0x1c7: {  	v1 =	vld.idx.msk [tilespmem:v53+s5+$0x0], $0xffff;
	_ =	sdelay $0x3  }
0x1c8: {  	v55 =	vld [tilespmem:s24+$0x1B770]  }
0x1c9: {  	[tilespmem:s24+$0x1D750] =	vst v1  }
0x1ca: {  	v0 =	vld.idx.msk [tilespmem:v54+s5+$0x0], $0xffff;
	_ =	sdelay $0x3  }
0x1cb: {  	v56 =	vld [tilespmem:s24+$0x1B780]  }
0x1cc: {  	[tilespmem:s24+$0x1D760] =	vst v0  }
0x1cd: {  	v1 =	vld.idx.msk [tilespmem:v55+s5+$0x0], $0xffff;
	_ =	sdelay $0x3  }
0x1ce: {  	v57 =	vld [tilespmem:s24+$0x1B790]  }
0x1cf: {  	[tilespmem:s24+$0x1D770] =	vst v1  }
0x1d0: {  	v0 =	vld.idx.msk [tilespmem:v56+s5+$0x0], $0xffff;
	_ =	sdelay $0x3  }
0x1d1: {  	v58 =	vld [tilespmem:s24+$0x1B7A0]  }
0x1d2: {  	[tilespmem:s24+$0x1D780] =	vst v0  }
0x1d3: {  	v1 =	vld.idx.msk [tilespmem:v57+s5+$0x0], $0xffff;
	_ =	sdelay $0x3  }
0x1d4: {  	v59 =	vld [tilespmem:s24+$0x1B7B0]  }
0x1d5: {  	[tilespmem:s24+$0x1D790] =	vst v1  }
0x1d6: {  	v0 =	vld.idx.msk [tilespmem:v58+s5+$0x0], $0xffff;
	_ =	sdelay $0x3  }
0x1d7: {  	v60 =	vld [tilespmem:s24+$0x1B7C0]  }
0x1d8: {  	[tilespmem:s24+$0x1D7A0] =	vst v0  }
0x1d9: {  	v1 =	vld.idx.msk [tilespmem:v59+s5+$0x0], $0xffff;
	_ =	sdelay $0x3  }
0x1da: {  	v61 =	vld [tilespmem:s24+$0x1B7D0]  }
0x1db: {  	[tilespmem:s24+$0x1D7B0] =	vst v1  }
0x1dc: {  	v0 =	vld.idx.msk [tilespmem:v60+s5+$0x0], $0xffff;
	_ =	sdelay $0x3  }
0x1dd: {  	v62 =	vld [tilespmem:s24+$0x1B7E0]  }
0x1de: {  	[tilespmem:s24+$0x1D7C0] =	vst v0  }
0x1df: {  	v1 =	vld.idx.msk [tilespmem:v61+s5+$0x0], $0xffff;
	_ =	sdelay $0x3  }
0x1e0: {  	v63 =	vld [tilespmem:s24+$0x1B7F0]  }
0x1e1: {  	[tilespmem:s24+$0x1D7D0] =	vst v1  }
0x1e2: {  	v0 =	vld.idx.msk [tilespmem:v62+s5+$0x0], $0xffff;
	_ =	sdelay $0x4  }
0x1e3: {  	[tilespmem:s24+$0x1D7E0] =	vst v0  }
0x1e4: {  	s20 =	sadd.s32 $0x1, s20;
	v0 =	vld.idx.msk [tilespmem:v63+s5+$0x0], $0xffff  }
0x1e5: {  	p0 =	sne.s32 s20, $0xD  }
.Ltmp4:
0x1e6: {  	_ = 	snop;
	(pc) =	sbr.rel @p0 .LBB2_2-.Ltmp4, $3  }
0x1e7: {  	_ =	sdelay $0x1  }
0x1e8: {  	[tilespmem:s24+$0x1D7F0] =	vst v0  }
0x1e9: {  	[hbm4b:s21+s11] =	stream.strided.scatter [tilespmem:s16], [sflag:$0x2], $0x1000, s12, s11, $0x38;
	[tilespmem:$0x1E700] =	vst v63  }
0x1ea: {  	s19 =	sadd.s32 $0x1, s19  }
0x1eb: {  	_ =	swait.ge [sflag:s17], $0x1000;
	p0 =	sne.s32 s19, s10  }
.Ltmp5:
0x1ec: {  	[sflag:s17] =	ssyncset.done $0x0;
	(pc) =	sbr.rel @p0 .LBB2_1-.Ltmp5, $4  }
0x1ed: {  	[sflag:s17] =	ssyncadd.s32 $0xFFFFF000  }
0x1ee: {  	_ =	swait.ge [sflag:s18], $0x1000  }
0x1ef: {  	[sflag:s18] =	ssyncset.done $0x0  }
0x1f0: {  	[sflag:s18] =	ssyncadd.s32 $0xFFFFF000  }
0x1f1: {  	_ =	sfence.sel $0x180000  }
0x1f2: {  	[bflag:$0x0] =	sbarrier.arrive $0xFFFF  }
0x1f3: {  	p0 =	sne.s32 s3, $0x0;
	_ =	strace $0x90000047  }
0x1f4: {  	s0 =	sadd.s32 @!p0 $0x100000, s0;
	[bflag:$0x2] =	sbarrier.arrive $0xFFFF  }
0x1f5: {  	[sflag:s0] =	ssyncadd.tile.s32 @!p0 $0x1;
	_ =	shalt  }
.Lfunc_end2:
_tile_overlayer_lowered:
.L_overlay_start_2:
0x1f6: {  	(tag) =	ssettag $0x2  }
0x1f7: {  	s0 =	rddreg [dreg:$0x0];
	s2 =	stileid.u32  }
0x1f8: {  	s1 =	rddreg [dreg:$0x1];
	p0 =	sne.s32 s2, $0x0  }
0x1f9: {  	s3 =	rddreg [dreg:$0x2];
	[bflag:$0x3] =	sbarrier.arrive $0xFFFF;
	s2 =	simm.s32 @!p0 $0x1C03  }
0x1fa: {  	[timem:s3], [sflag:s2] =	dma.local @!p0 [hbm:s0], s1  }
0x1fb: {  	s0 =	simm.s32 @!p0 $0x3  }
0x1fc: {  	_ =	swait.ge @!p0 [sflag:s0], s1  }
0x1fd: {  	s1 =	ssub.s32 @!p0 $0x0, s1;
	[sflag:s0] =	ssyncset.done @!p0 $0x0  }
0x1fe: {  	[sflag:s0] =	ssyncadd.s32 @!p0 s1  }
0x1ff: {  	[bflag:$0x3] =	sbarrier.arrive $0xFFFF  }
0x200: {  	_ =	shalt  }

</sc_bundles>
